<compile_context>
chip_gen: v7x
topology: tpu7x:2x2x1
jax: 0.10.2.dev20260603
libtpu: 0.0.44.dev20260713+nightly
codegen_flags: <defaults>
</compile_context>

<pallas_src>
import dataclasses
import functools
import jax
import jax.numpy as jnp
from jax import lax
from jax.experimental import pallas as pl
from jax.experimental.pallas import tpu as pltpu
from jax.experimental.pallas import tpu_sc as plsc

_BATCH = 16
_N = 32
_S = 2048
_L = 2048
_D = 768
_C = 256
_NCH = _L // _C
_LANES = 16



def _sc_body(att_hbm, st_hbm, en_hbm, out_hbm, att_v, st_v, en_v, res_v,
             sem):
    cid = lax.axis_index("c")
    b = lax.axis_index("s")

    @pl.when(cid == 0)
    def _():
        pltpu.async_copy(att_hbm.at[pl.ds(b * _S, _S)], att_v, sem).wait()
        pltpu.async_copy(st_hbm.at[pl.ds(b * _N, _N)],
                         st_v.at[pl.ds(0, _N)], sem).wait()
        pltpu.async_copy(en_hbm.at[pl.ds(b * _N, _N)],
                         en_v.at[pl.ds(0, _N)], sem).wait()
        lane = lax.broadcasted_iota(jnp.int32, (_LANES,), 0)

        def sent_body(n, carry):
            bv, bs, be = carry
            s = st_v[pl.ds(n, _LANES)][0]
            e = en_v[pl.ds(n, _LANES)][0]

            def pos_body(k, acc):
                base = k * _LANES
                v = att_v[pl.ds(base, _LANES)]
                pos = lane + base
                m = (pos >= s) & (pos < e)
                return acc + jnp.where(m, v, 0.0)

            k0 = lax.div(s, _LANES)
            k1 = lax.div(e + (_LANES - 1), _LANES)
            acc = lax.fori_loop(k0, k1, pos_body,
                                jnp.zeros((_LANES,), jnp.float32))
            tot = jnp.sum(acc)
            upd = tot > bv
            return (jnp.where(upd, tot, bv),
                    jnp.where(upd, s, bs),
                    jnp.where(upd, e, be))

        bv, bs, be = lax.fori_loop(
            0, _N, sent_body,
            (jnp.float32(0.0), jnp.int32(0), jnp.int32(0)))
        lane2 = lax.broadcasted_iota(jnp.int32, (_LANES,), 0)
        res_v[...] = jnp.where(lane2 == 0, bs,
                               jnp.where(lane2 == 1, be, 0))
        pltpu.async_copy(res_v, out_hbm.at[pl.ds(b * _LANES, _LANES)],
                         sem).wait()


def _sc_phase1(attention, starts, ends):
    mesh = plsc.VectorSubcoreMesh(core_axis_name="c", subcore_axis_name="s")
    cp = pltpu.CompilerParams()
    if "needs_layout_passes" in pltpu.CompilerParams.__dataclass_fields__:
        cp = dataclasses.replace(cp, needs_layout_passes=False)
    kern = functools.partial(
        pl.kernel, mesh=mesh,
        compiler_params=cp,
        out_type=jax.ShapeDtypeStruct((_BATCH * _LANES,), jnp.int32),
        scratch_types=[
            pltpu.VMEM((_S,), jnp.float32),
            pltpu.VMEM((_N + _LANES,), jnp.int32),
            pltpu.VMEM((_N + _LANES,), jnp.int32),
            pltpu.VMEM((_LANES,), jnp.int32),
            pltpu.SemaphoreType.DMA,
        ],
    )(_sc_body)
    return kern(attention, starts, ends)



def _tc_body(sb_ref, ctx_ref, out_ref):
    b = pl.program_id(0)
    start = sb_ref[b, 0]
    end = sb_ref[b, 1]
    nv = end - start

    _W = _C + 8
    _G = _C // 8
    d8 = lax.rem(start, 8)
    for c in range(_NCH):
        lo = c * _C
        roff_raw = (start + lo) // 8 * 8
        clamped = roff_raw > _S - _W

        @pl.when(nv <= lo)
        def _():
            out_ref[0, lo:lo + _C, :] = jnp.zeros((_C, _D), jnp.float32)

        def _fast(masked):
            roff = pl.multiple_of(jnp.minimum(roff_raw, _S - _W), 8)
            win = ctx_ref[0, pl.ds(roff, _W), :]
            w3 = win.reshape(_W // 8, 8, _D)
            rolled = pltpu.roll(w3, lax.rem(8 - d8, 8), axis=1)
            sub = lax.broadcasted_iota(jnp.int32, (_G, 8, 1), 1)
            rot3 = jnp.where(sub < 8 - d8,
                             rolled[0:_G, :, :], rolled[1:_G + 1, :, :])
            if masked:
                grp = lax.broadcasted_iota(jnp.int32, (_G, 8, 1), 0)
                rot3 = jnp.where(grp * 8 + sub < (nv - lo), rot3, 0.0)
            out_ref[0, lo:lo + _C, :] = rot3.reshape(_C, _D)

        def _slow():
            roff = pl.multiple_of(jnp.minimum(roff_raw, _S - _W), 8)
            t = start + lo - roff
            win = ctx_ref[0, pl.ds(roff, _W), :]
            shift = lax.rem(_W - t, _W)
            rot = pltpu.roll(win, shift, axis=0)
            rows = lax.broadcasted_iota(jnp.int32, (_C, 1), 0)
            out_ref[0, lo:lo + _C, :] = jnp.where(
                rows < (nv - lo), rot[0:_C, :], 0.0)

        full = nv >= lo + _C
        tail = (nv > lo) & (nv < lo + _C)
        pl.when(full & jnp.logical_not(clamped))(lambda: _fast(False))
        pl.when(tail & jnp.logical_not(clamped))(lambda: _fast(True))
        pl.when((nv > lo) & clamped)(_slow)


def _tc_copy(sb, context):
    grid_spec = pltpu.PrefetchScalarGridSpec(
        num_scalar_prefetch=1,
        grid=(_BATCH,),
        in_specs=[
            pl.BlockSpec((1, _S, _D), lambda b, sb_ref: (b, 0, 0)),
        ],
        out_specs=pl.BlockSpec((1, _L, _D), lambda b, sb_ref: (b, 0, 0)),
    )
    return pl.pallas_call(
        _tc_body,
        grid_spec=grid_spec,
        out_shape=jax.ShapeDtypeStruct((_BATCH, _L, _D), jnp.float32),
        compiler_params=pltpu.CompilerParams(
            dimension_semantics=("arbitrary",)),
    )(sb, context)


@jax.jit
def kernel(startends, attention, context):
    starts = startends[..., 0].reshape(-1)
    ends = startends[..., 1].reshape(-1)
    att_flat = attention.reshape(-1)
    sb = _sc_phase1(att_flat, starts, ends)
    return _tc_copy(sb.reshape(_BATCH, _LANES)[:, 0:2], context)

# --- scband reference (transcript-rebuilt; emitter-appended) ---
"""Pipeline reference for scband-max-att-sentence-16063177687231 (READ-ONLY COPY).

The authoritative reference and input builder live on the scoring server;
editing this copy changes nothing except your own understanding.
"""

import jax, jax.numpy as jnp
import numpy as np

BATCH = 16
N_SENT = 32
SEQ_LEN = 2048
MAX_SENTENCE_LEN = 2048
EMB_DIM = 768


def setup_inputs(seed: int = 0) -> dict:
    key = jax.random.key(seed)
    k1, k2, k3 = jax.random.split(key, 3)
    # sorted along last axis so start <= end for every (start, end) pair
    startends = jnp.sort(
        jax.random.randint(k1, (BATCH, N_SENT, 2), 0, SEQ_LEN, dtype=jnp.int32),
        axis=-1,
    )
    attention = jax.random.uniform(k2, (BATCH, SEQ_LEN), dtype=jnp.float32)
    context = jax.random.normal(k3, (BATCH, SEQ_LEN, EMB_DIM), dtype=jnp.float32)
    return {"startends": startends, "attention": attention, "context": context}


def reference(startends, attention, context):
    # For each batch element, find the sentence span [start, end) with the
    # maximal summed attention (strictly > 0, first-occurrence tie-break,
    # default span (0, 0)), then copy that span of context into a
    # zero-padded [MAX_SENTENCE_LEN, EMB_DIM] slot.
    B, S = attention.shape
    starts = startends[..., 0]  # [B, N]
    ends = startends[..., 1]    # [B, N]
    pos = jnp.arange(S)
    mask = (pos[None, None, :] >= starts[:, :, None]) & (
        pos[None, None, :] < ends[:, :, None]
    )  # [B, N, S]
    sums = jnp.sum(jnp.where(mask, attention[:, None, :], 0.0), axis=-1)  # [B, N]
    max_sum = jnp.max(sums, axis=-1)           # [B]
    best = jnp.argmax(sums, axis=-1)           # first max, matches strict-> loop
    best_start = jnp.take_along_axis(starts, best[:, None], axis=1)[:, 0]
    best_end = jnp.take_along_axis(ends, best[:, None], axis=1)[:, 0]
    sel = max_sum > 0                          # torch init max_sum_att = 0, strict >
    best_start = jnp.where(sel, best_start, 0)
    best_end = jnp.where(sel, best_end, 0)
    idx = best_start[:, None] + jnp.arange(MAX_SENTENCE_LEN)[None, :]  # [B, L]
    valid = idx < best_end[:, None]
    idx_c = jnp.clip(idx, 0, S - 1)
    gathered = jnp.take_along_axis(context, idx_c[:, :, None], axis=1)  # [B, L, D]
    out = jnp.where(valid[:, :, None], gathered, 0.0)
    return out

if __name__ == "__main__":
    import jax
    _d = setup_inputs()
    print(jax.jit(kernel)(*tuple(_d.values())))

</pallas_src>

<mosaic_0001>
#map = affine_map<(d0, d1) -> (0)>
module attributes {stable_mosaic.version = 14 : i64} {
  func.func @_sc_body(%arg0: i32, %arg1: i32, %arg2: memref<32768xf32, #tpu.memory_space<hbm>>, %arg3: memref<512xi32, #tpu.memory_space<hbm>>, %arg4: memref<512xi32, #tpu.memory_space<hbm>>, %arg5: memref<256xi32, #tpu.memory_space<hbm>>, %arg6: memref<2048xf32, #tpu.memory_space<vmem>>, %arg7: memref<48xi32, #tpu.memory_space<vmem>>, %arg8: memref<48xi32, #tpu.memory_space<vmem>>, %arg9: memref<16xi32, #tpu.memory_space<vmem>>, %arg10: memref<!tpu.dma_semaphore, #tpu.memory_space<semaphore_mem>>) attributes {dimension_semantics = [#tpu.dimension_semantics<core_parallel>, #tpu.dimension_semantics<subcore_parallel>], iteration_bounds = array<i64: 2, 16>, scalar_prefetch = 0 : i64, scratch_operands = 5 : i64, tpu.core_type = #tpu.core_type<sc_vector_subcore>, window_params = [{transform_indices = #map}, {transform_indices = #map}, {transform_indices = #map}, {transform_indices = #map}]} {
    %eq3A = arith.constant 0 : i32
    %eq3A_0 = arith.cmpi eq, %arg0, %eq3A : i32
    %convert_element_type3A = arith.extui %eq3A_0 : i1 to i32
    %cond3A = arith.constant 0 : i32
    %cond3A_1 = arith.cmpi ne, %convert_element_type3A, %cond3A : i32
    scf.if %cond3A_1 {
      %mul3A = arith.constant 2048 : i32
      %mul3A_2 = arith.muli %arg1, %mul3A : i32
      %dma_start3A = tpu.memref_slice %arg2[%mul3A_2] : memref<32768xf32, #tpu.memory_space<hbm>> -> memref<2048xf32, #tpu.memory_space<hbm>>
      %dma_start3A_3 = tpu.memref_slice %arg2[%mul3A_2] : memref<32768xf32, #tpu.memory_space<hbm>> -> memref<2048xf32, #tpu.memory_space<hbm>>
      tpu.enqueue_dma source(%dma_start3A_3 : memref<2048xf32, #tpu.memory_space<hbm>>) target(%arg6 : memref<2048xf32, #tpu.memory_space<vmem>>) target_semaphore(%arg10 : memref<!tpu.dma_semaphore, #tpu.memory_space<semaphore_mem>>)
      %dma_wait3A = tpu.memref_slice %arg2[%mul3A_2] : memref<32768xf32, #tpu.memory_space<hbm>> -> memref<2048xf32, #tpu.memory_space<hbm>>
      %dma_wait3A_4 = tpu.memref_slice %arg2[%mul3A_2] : memref<32768xf32, #tpu.memory_space<hbm>> -> memref<2048xf32, #tpu.memory_space<hbm>>
      tpu.wait_dma2 semaphore(%arg10 : memref<!tpu.dma_semaphore, #tpu.memory_space<semaphore_mem>>) src(%dma_wait3A_4 : memref<2048xf32, #tpu.memory_space<hbm>>) dst(%arg6 : memref<2048xf32, #tpu.memory_space<vmem>>)
      %mul3A_5 = arith.constant 32 : i32
      %mul3A_6 = arith.muli %arg1, %mul3A_5 : i32
      %dma_start3A_7 = arith.constant 0 : i32
      %dma_start3A_8 = tpu.memref_slice %arg7[%dma_start3A_7] : memref<48xi32, #tpu.memory_space<vmem>> -> memref<32xi32, #tpu.memory_space<vmem>>
      %dma_start3A_9 = tpu.memref_slice %arg3[%mul3A_6] : memref<512xi32, #tpu.memory_space<hbm>> -> memref<32xi32, #tpu.memory_space<hbm>>
      %dma_start3A_10 = arith.constant 0 : i32
      %dma_start3A_11 = tpu.memref_slice %arg7[%dma_start3A_10] : memref<48xi32, #tpu.memory_space<vmem>> -> memref<32xi32, #tpu.memory_space<vmem>>
      %dma_start3A_12 = tpu.memref_slice %arg3[%mul3A_6] : memref<512xi32, #tpu.memory_space<hbm>> -> memref<32xi32, #tpu.memory_space<hbm>>
      tpu.enqueue_dma source(%dma_start3A_12 : memref<32xi32, #tpu.memory_space<hbm>>) target(%dma_start3A_11 : memref<32xi32, #tpu.memory_space<vmem>>) target_semaphore(%arg10 : memref<!tpu.dma_semaphore, #tpu.memory_space<semaphore_mem>>)
      %dma_wait3A_13 = arith.constant 0 : i32
      %dma_wait3A_14 = tpu.memref_slice %arg7[%dma_wait3A_13] : memref<48xi32, #tpu.memory_space<vmem>> -> memref<32xi32, #tpu.memory_space<vmem>>
      %dma_wait3A_15 = tpu.memref_slice %arg3[%mul3A_6] : memref<512xi32, #tpu.memory_space<hbm>> -> memref<32xi32, #tpu.memory_space<hbm>>
      %dma_wait3A_16 = arith.constant 0 : i32
      %dma_wait3A_17 = tpu.memref_slice %arg7[%dma_wait3A_16] : memref<48xi32, #tpu.memory_space<vmem>> -> memref<32xi32, #tpu.memory_space<vmem>>
      %dma_wait3A_18 = tpu.memref_slice %arg3[%mul3A_6] : memref<512xi32, #tpu.memory_space<hbm>> -> memref<32xi32, #tpu.memory_space<hbm>>
      tpu.wait_dma2 semaphore(%arg10 : memref<!tpu.dma_semaphore, #tpu.memory_space<semaphore_mem>>) src(%dma_wait3A_18 : memref<32xi32, #tpu.memory_space<hbm>>) dst(%dma_wait3A_17 : memref<32xi32, #tpu.memory_space<vmem>>)
      %mul3A_19 = arith.constant 32 : i32
      %mul3A_20 = arith.muli %arg1, %mul3A_19 : i32
      %dma_start3A_21 = arith.constant 0 : i32
      %dma_start3A_22 = tpu.memref_slice %arg8[%dma_start3A_21] : memref<48xi32, #tpu.memory_space<vmem>> -> memref<32xi32, #tpu.memory_space<vmem>>
      %dma_start3A_23 = tpu.memref_slice %arg4[%mul3A_20] : memref<512xi32, #tpu.memory_space<hbm>> -> memref<32xi32, #tpu.memory_space<hbm>>
      %dma_start3A_24 = arith.constant 0 : i32
      %dma_start3A_25 = tpu.memref_slice %arg8[%dma_start3A_24] : memref<48xi32, #tpu.memory_space<vmem>> -> memref<32xi32, #tpu.memory_space<vmem>>
      %dma_start3A_26 = tpu.memref_slice %arg4[%mul3A_20] : memref<512xi32, #tpu.memory_space<hbm>> -> memref<32xi32, #tpu.memory_space<hbm>>
      tpu.enqueue_dma source(%dma_start3A_26 : memref<32xi32, #tpu.memory_space<hbm>>) target(%dma_start3A_25 : memref<32xi32, #tpu.memory_space<vmem>>) target_semaphore(%arg10 : memref<!tpu.dma_semaphore, #tpu.memory_space<semaphore_mem>>)
      %dma_wait3A_27 = arith.constant 0 : i32
      %dma_wait3A_28 = tpu.memref_slice %arg8[%dma_wait3A_27] : memref<48xi32, #tpu.memory_space<vmem>> -> memref<32xi32, #tpu.memory_space<vmem>>
      %dma_wait3A_29 = tpu.memref_slice %arg4[%mul3A_20] : memref<512xi32, #tpu.memory_space<hbm>> -> memref<32xi32, #tpu.memory_space<hbm>>
      %dma_wait3A_30 = arith.constant 0 : i32
      %dma_wait3A_31 = tpu.memref_slice %arg8[%dma_wait3A_30] : memref<48xi32, #tpu.memory_space<vmem>> -> memref<32xi32, #tpu.memory_space<vmem>>
      %dma_wait3A_32 = tpu.memref_slice %arg4[%mul3A_20] : memref<512xi32, #tpu.memory_space<hbm>> -> memref<32xi32, #tpu.memory_space<hbm>>
      tpu.wait_dma2 semaphore(%arg10 : memref<!tpu.dma_semaphore, #tpu.memory_space<semaphore_mem>>) src(%dma_wait3A_32 : memref<32xi32, #tpu.memory_space<hbm>>) dst(%dma_wait3A_31 : memref<32xi32, #tpu.memory_space<vmem>>)
      %iota3A = tpu.iota {dimensions = array<i32: 0>} : vector<16xi32>
      %scan3A = arith.constant 0.000000e+00 : f32
      %scan3A_33 = arith.constant 0 : i32
      %scan3A_34 = arith.constant 0 : i32
      %scan3A_35 = arith.constant 0 : i32
      %scan3A_36 = arith.constant 32 : i32
      %scan3A_37 = arith.addi %scan3A_35, %scan3A_36 : i32
      %scan3A_38 = arith.constant 1 : i32
      %scan3A_39:3 = scf.for %scan3A_58 = %scan3A_35 to %scan3A_37 step %scan3A_38 iter_args(%scan3A_59 = %scan3A, %scan3A_60 = %scan3A_33, %scan3A_61 = %scan3A_34) -> (f32, i32, i32)  : i32 {
        %get3A = arith.index_cast %scan3A_58 : i32 to index
        %get3A_62 = tpu.vector_load %arg7[%get3A] {strides = array<i32>} : memref<48xi32, #tpu.memory_space<vmem>>, vector<16xi32>,
        %slice3A = vector.extract_strided_slice %get3A_62 {offsets = [0], sizes = [1], strides = [1]} : vector<16xi32> to vector<1xi32>
        %squeeze3A = vector.extract %slice3A[0] : i32 from vector<1xi32>
        %get3A_63 = arith.index_cast %scan3A_58 : i32 to index
        %get3A_64 = tpu.vector_load %arg8[%get3A_63] {strides = array<i32>} : memref<48xi32, #tpu.memory_space<vmem>>, vector<16xi32>,
        %slice3A_65 = vector.extract_strided_slice %get3A_64 {offsets = [0], sizes = [1], strides = [1]} : vector<16xi32> to vector<1xi32>
        %squeeze3A_66 = vector.extract %slice3A_65[0] : i32 from vector<1xi32>
        %div3A = arith.constant 16 : i32
        %div3A_67 = arith.divsi %squeeze3A, %div3A : i32
        %add3A = arith.constant 15 : i32
        %add3A_68 = arith.addi %squeeze3A_66, %add3A : i32
        %div3A_69 = arith.constant 16 : i32
        %div3A_70 = arith.divsi %add3A_68, %div3A_69 : i32
        %broadcast_in_dim3A_71 = arith.constant 0.000000e+00 : f32
        %broadcast_in_dim3A_72 = vector.broadcast %broadcast_in_dim3A_71 : f32 to vector<16xf32>
        %while3A = arith.subi %div3A_70, %div3A_67 : i32
        %while3A_73 = arith.addi %div3A_67, %while3A : i32
        %while3A_74 = arith.constant 1 : i32
        %while3A_75 = arith.divsi %while3A, %while3A_74 : i32
        %while3A_76 = arith.muli %while3A_75, %while3A_74 : i32
        %while3A_77 = arith.addi %div3A_67, %while3A_76 : i32
        %while3A_78 = arith.constant 1 : i32
        %while3A_79 = scf.for %while3A_88 = %div3A_67 to %while3A_77 step %while3A_78 iter_args(%while3A_89 = %broadcast_in_dim3A_72) -> (vector<16xf32>)  : i32 {
          %mul3A_90 = arith.constant 16 : i32
          %mul3A_91 = arith.muli %while3A_88, %mul3A_90 : i32
          %get3A_92 = arith.index_cast %mul3A_91 : i32 to index
          %get3A_93 = tpu.vector_load %arg6[%get3A_92] {strides = array<i32>} : memref<2048xf32, #tpu.memory_space<vmem>>, vector<16xf32>,
          %add3A_94 = vector.broadcast %mul3A_91 : i32 to vector<16xi32>
          %add3A_95 = arith.addi %iota3A, %add3A_94 : vector<16xi32>
          %ge3A = vector.broadcast %squeeze3A : i32 to vector<16xi32>
          %ge3A_96 = arith.cmpi sge, %add3A_95, %ge3A : vector<16xi32>
          %lt3A = vector.broadcast %squeeze3A_66 : i32 to vector<16xi32>
          %lt3A_97 = arith.cmpi slt, %add3A_95, %lt3A : vector<16xi32>
          %and3A = arith.andi %ge3A_96, %lt3A_97 : vector<16xi1>
          %jit3A_98 = arith.constant 0.000000e+00 : f32
          %broadcast_in_dim3A_99 = vector.broadcast %jit3A_98 : f32 to vector<16xf32>
          %select_n3A_100 = arith.select %and3A, %get3A_93, %broadcast_in_dim3A_99 : vector<16xi1>, vector<16xf32>
          %add3A_101 = arith.addf %while3A_89, %select_n3A_100 : vector<16xf32>
          scf.yield %add3A_101 : vector<16xf32>
        }
        %while3A_80 = arith.constant 1 : i32
        %while3A_81 = scf.for %while3A_88 = %while3A_77 to %while3A_73 step %while3A_80 iter_args(%while3A_89 = %while3A_79) -> (vector<16xf32>)  : i32 {
          %mul3A_90 = arith.constant 16 : i32
          %mul3A_91 = arith.muli %while3A_88, %mul3A_90 : i32
          %get3A_92 = arith.index_cast %mul3A_91 : i32 to index
          %get3A_93 = tpu.vector_load %arg6[%get3A_92] {strides = array<i32>} : memref<2048xf32, #tpu.memory_space<vmem>>, vector<16xf32>,
          %add3A_94 = vector.broadcast %mul3A_91 : i32 to vector<16xi32>
          %add3A_95 = arith.addi %iota3A, %add3A_94 : vector<16xi32>
          %ge3A = vector.broadcast %squeeze3A : i32 to vector<16xi32>
          %ge3A_96 = arith.cmpi sge, %add3A_95, %ge3A : vector<16xi32>
          %lt3A = vector.broadcast %squeeze3A_66 : i32 to vector<16xi32>
          %lt3A_97 = arith.cmpi slt, %add3A_95, %lt3A : vector<16xi32>
          %and3A = arith.andi %ge3A_96, %lt3A_97 : vector<16xi1>
          %jit3A_98 = arith.constant 0.000000e+00 : f32
          %broadcast_in_dim3A_99 = vector.broadcast %jit3A_98 : f32 to vector<16xf32>
          %select_n3A_100 = arith.select %and3A, %get3A_93, %broadcast_in_dim3A_99 : vector<16xi1>, vector<16xf32>
          %add3A_101 = arith.addf %while3A_89, %select_n3A_100 : vector<16xf32>
          scf.yield %add3A_101 : vector<16xf32>
        }
        %reduce_sum3A = arith.constant true
        %reduce_sum3A_82 = vector.broadcast %reduce_sum3A : i1 to vector<16xi1>
        %reduce_sum3A_83 = tpu.scan <sum>, %while3A_81 masked %reduce_sum3A_82 : vector<16xf32>, vector<16xi1> -> vector<16xf32>
        %reduce_sum3A_84 = vector.extract %reduce_sum3A_83[15] : f32 from vector<16xf32>
        %gt3A = arith.cmpf ogt, %reduce_sum3A_84, %scan3A_59 : f32
        %select_n3A_85 = arith.select %gt3A, %reduce_sum3A_84, %scan3A_59 : f32
        %select_n3A_86 = arith.select %gt3A, %squeeze3A, %scan3A_60 : i32
        %select_n3A_87 = arith.select %gt3A, %squeeze3A_66, %scan3A_61 : i32
        scf.yield %select_n3A_85, %select_n3A_86, %select_n3A_87 : f32, i32, i32
      }
      %scan3A_40 = arith.constant 32 : i32
      %iota3A_41 = tpu.iota {dimensions = array<i32: 0>} : vector<16xi32>
      %eq3A_42 = arith.constant 0 : i32
      %eq3A_43 = vector.broadcast %eq3A_42 : i32 to vector<16xi32>
      %eq3A_44 = arith.cmpi eq, %iota3A_41, %eq3A_43 : vector<16xi32>
      %eq3A_45 = arith.constant 1 : i32
      %eq3A_46 = vector.broadcast %eq3A_45 : i32 to vector<16xi32>
      %eq3A_47 = arith.cmpi eq, %iota3A_41, %eq3A_46 : vector<16xi32>
      %jit3A = arith.constant 0 : i32
      %broadcast_in_dim3A = vector.broadcast %scan3A_39#2 : i32 to vector<16xi32>
      %broadcast_in_dim3A_48 = vector.broadcast %jit3A : i32 to vector<16xi32>
      %select_n3A = arith.select %eq3A_47, %broadcast_in_dim3A, %broadcast_in_dim3A_48 : vector<16xi1>, vector<16xi32>
      %broadcast_in_dim3A_49 = vector.broadcast %scan3A_39#1 : i32 to vector<16xi32>
      %select_n3A_50 = arith.select %eq3A_44, %broadcast_in_dim3A_49, %select_n3A : vector<16xi1>, vector<16xi32>
      %swap3A = arith.constant 0 : index
      %swap3A_51 = tpu.vector_load %arg9[%swap3A] {strides = array<i32>} : memref<16xi32, #tpu.memory_space<vmem>>, vector<16xi32>,
      tpu.vector_store %arg9[%swap3A], %select_n3A_50 {strides = array<i32>} : memref<16xi32, #tpu.memory_space<vmem>>, vector<16xi32>,
      %mul3A_52 = arith.constant 16 : i32
      %mul3A_53 = arith.muli %arg1, %mul3A_52 : i32
      %dma_start3A_54 = tpu.memref_slice %arg5[%mul3A_53] : memref<256xi32, #tpu.memory_space<hbm>> -> memref<16xi32, #tpu.memory_space<hbm>>
      %dma_start3A_55 = tpu.memref_slice %arg5[%mul3A_53] : memref<256xi32, #tpu.memory_space<hbm>> -> memref<16xi32, #tpu.memory_space<hbm>>
      tpu.enqueue_dma source(%arg9 : memref<16xi32, #tpu.memory_space<vmem>>) target(%dma_start3A_55 : memref<16xi32, #tpu.memory_space<hbm>>) target_semaphore(%arg10 : memref<!tpu.dma_semaphore, #tpu.memory_space<semaphore_mem>>)
      %dma_wait3A_56 = tpu.memref_slice %arg5[%mul3A_53] : memref<256xi32, #tpu.memory_space<hbm>> -> memref<16xi32, #tpu.memory_space<hbm>>
      %dma_wait3A_57 = tpu.memref_slice %arg5[%mul3A_53] : memref<256xi32, #tpu.memory_space<hbm>> -> memref<16xi32, #tpu.memory_space<hbm>>
      tpu.wait_dma2 semaphore(%arg10 : memref<!tpu.dma_semaphore, #tpu.memory_space<semaphore_mem>>) src(%arg9 : memref<16xi32, #tpu.memory_space<vmem>>) dst(%dma_wait3A_57 : memref<16xi32, #tpu.memory_space<hbm>>)
    } else {
    }
    return
  }
}

module attributes {stable_mosaic.version = 14 : i64} {
  func.func @_tc_body(%arg0: i32, %arg1: memref<16x2xi32, #tpu.memory_space<smem>>, %arg2: memref<1x2048x768xf32, #tpu.memory_space<vmem>>, %arg3: memref<1x2048x768xf32, #tpu.memory_space<vmem>>) attributes {dimension_semantics = [#tpu.dimension_semantics<arbitrary>], iteration_bounds = array<i64: 16>, scalar_prefetch = 1 : i64, scratch_operands = 0 : i64, tpu.core_type = #tpu.core_type<tc>, window_params = [{transform_indices = @transform_0, window_bounds = array<i64: 1, 2048, 768>}, {transform_indices = @transform_1, window_bounds = array<i64: 1, 2048, 768>}]} {
    %get3A = arith.index_cast %arg0 : i32 to index
    %get3A_0 = arith.constant 0 : index
    %get3A_1 = memref.load %arg1[%get3A, %get3A_0] : memref<16x2xi32, #tpu.memory_space<smem>>
    %get3A_2 = arith.index_cast %arg0 : i32 to index
    %get3A_3 = arith.constant 1 : index
    %get3A_4 = memref.load %arg1[%get3A_2, %get3A_3] : memref<16x2xi32, #tpu.memory_space<smem>>
    %sub3A = arith.subi %get3A_4, %get3A_1 : i32
    %rem3A = arith.constant 8 : i32
    %rem3A_5 = arith.remsi %get3A_1, %rem3A : i32
    %add3A = arith.constant 0 : i32
    %add3A_6 = arith.addi %get3A_1, %add3A : i32
    %jit3A = arith.constant 8 : i32
    %div3A = arith.divsi %add3A_6, %jit3A : i32
    %sign3A = arith.constant 0 : i32
    %sign3A_7 = arith.cmpi sgt, %add3A_6, %sign3A : i32
    %sign3A_8 = arith.extui %sign3A_7 : i1 to i32
    %sign3A_9 = arith.constant 0 : i32
    %sign3A_10 = arith.cmpi slt, %add3A_6, %sign3A_9 : i32
    %sign3A_11 = arith.extui %sign3A_10 : i1 to i32
    %sign3A_12 = arith.subi %sign3A_8, %sign3A_11 : i32
    %sign3A_13 = arith.constant 0 : i32
    %sign3A_14 = arith.cmpi sgt, %jit3A, %sign3A_13 : i32
    %sign3A_15 = arith.extui %sign3A_14 : i1 to i32
    %sign3A_16 = arith.constant 0 : i32
    %sign3A_17 = arith.cmpi slt, %jit3A, %sign3A_16 : i32
    %sign3A_18 = arith.extui %sign3A_17 : i1 to i32
    %sign3A_19 = arith.subi %sign3A_15, %sign3A_18 : i32
    %ne3A = arith.cmpi ne, %sign3A_12, %sign3A_19 : i32
    %rem3A_20 = arith.remsi %add3A_6, %jit3A : i32
    %ne3A_21 = arith.constant 0 : i32
    %ne3A_22 = arith.cmpi ne, %rem3A_20, %ne3A_21 : i32
    %and3A = arith.andi %ne3A, %ne3A_22 : i1
    %sub3A_23 = arith.constant 1 : i32
    %sub3A_24 = arith.subi %div3A, %sub3A_23 : i32
    %select_n3A = arith.select %and3A, %sub3A_24, %div3A : i32
    %mul3A = arith.constant 8 : i32
    %mul3A_25 = arith.muli %select_n3A, %mul3A : i32
    %gt3A = arith.constant 1784 : i32
    %gt3A_26 = arith.cmpi sgt, %mul3A_25, %gt3A : i32
    %le3A = arith.constant 0 : i32
    %le3A_27 = arith.cmpi sle, %sub3A, %le3A : i32
    %convert_element_type3A = arith.extui %le3A_27 : i1 to i32
    %cond3A = arith.constant 0 : i32
    %cond3A_28 = arith.cmpi ne, %convert_element_type3A, %cond3A : i32
    scf.if %cond3A_28 {
      %broadcast_in_dim3A = arith.constant 0.000000e+00 : f32
      %broadcast_in_dim3A_471 = vector.broadcast %broadcast_in_dim3A : f32 to vector<256x768xf32>
      %swap3A = arith.constant 0 : index
      %swap3A_472 = arith.constant 0 : index
      %swap3A_473 = arith.constant 0 : index
      %swap3A_474 = vector.load %arg3[%swap3A, %swap3A_472, %swap3A_473] : memref<1x2048x768xf32, #tpu.memory_space<vmem>>, vector<1x256x768xf32>
      %swap3A_475 = vector.shape_cast %swap3A_474 : vector<1x256x768xf32> to vector<256x768xf32>
      %swap3A_476 = vector.shape_cast %broadcast_in_dim3A_471 : vector<256x768xf32> to vector<1x256x768xf32>
      tpu.vector_store %arg3[%swap3A, %swap3A_472, %swap3A_473], %swap3A_476 {strides = array<i32>} : memref<1x2048x768xf32, #tpu.memory_space<vmem>>, vector<1x256x768xf32>,
    } else {
    }
    %ge3A = arith.constant 256 : i32
    %ge3A_29 = arith.cmpi sge, %sub3A, %ge3A : i32
    %gt3A_30 = arith.constant 0 : i32
    %gt3A_31 = arith.cmpi sgt, %sub3A, %gt3A_30 : i32
    %lt3A = arith.constant 256 : i32
    %lt3A_32 = arith.cmpi slt, %sub3A, %lt3A : i32
    %and3A_33 = arith.andi %gt3A_31, %lt3A_32 : i1
    %not3A = arith.constant true
    %not3A_34 = arith.xori %gt3A_26, %not3A : i1
    %and3A_35 = arith.andi %ge3A_29, %not3A_34 : i1
    %convert_element_type3A_36 = arith.extui %and3A_35 : i1 to i32
    %cond3A_37 = arith.constant 0 : i32
    %cond3A_38 = arith.cmpi ne, %convert_element_type3A_36, %cond3A_37 : i32
    scf.if %cond3A_38 {
      %min3A = arith.constant 1784 : i32
      %min3A_471 = arith.minsi %mul3A_25, %min3A : i32
      %multiple_of3A = tpu.assume_multiple %min3A_471, 8 : i32
      %get3A_472 = arith.constant 0 : index
      %get3A_473 = arith.index_cast %multiple_of3A : i32 to index
      %get3A_474 = arith.constant 0 : index
      %get3A_475 = vector.load %arg2[%get3A_472, %get3A_473, %get3A_474] : memref<1x2048x768xf32, #tpu.memory_space<vmem>>, vector<1x264x768xf32>
      %get3A_476 = vector.shape_cast %get3A_475 : vector<1x264x768xf32> to vector<264x768xf32>
      %reshape3A = vector.shape_cast %get3A_476 : vector<264x768xf32> to vector<33x8x768xf32>
      %sub3A_477 = arith.constant 8 : i32
      %sub3A_478 = arith.subi %sub3A_477, %rem3A_5 : i32
      %rem3A_479 = arith.constant 8 : i32
      %rem3A_480 = arith.remsi %sub3A_478, %rem3A_479 : i32
      %roll3A = tpu.dynamic_rotate %reshape3A by %rem3A_480 dim 1 : vector<33x8x768xf32>, i32 -> vector<33x8x768xf32>
      %iota3A = tpu.iota {dimensions = array<i32: 1>} : vector<32x8x1xi32>
      %sub3A_481 = arith.constant 8 : i32
      %sub3A_482 = arith.subi %sub3A_481, %rem3A_5 : i32
      %lt3A_483 = vector.broadcast %sub3A_482 : i32 to vector<32x8x1xi32>
      %lt3A_484 = arith.cmpi slt, %iota3A, %lt3A_483 : vector<32x8x1xi32>
      %slice3A = vector.extract_strided_slice %roll3A {offsets = [0, 0, 0], sizes = [32, 8, 768], strides = [1, 1, 1]} : vector<33x8x768xf32> to vector<32x8x768xf32>
      %slice3A_485 = vector.extract_strided_slice %roll3A {offsets = [1, 0, 0], sizes = [32, 8, 768], strides = [1, 1, 1]} : vector<33x8x768xf32> to vector<32x8x768xf32>
      %broadcast_in_dim3A = vector.shape_cast %lt3A_484 : vector<32x8x1xi1> to vector<32x8x1xi1>
      %broadcast_in_dim3A_486 = vector.broadcast %broadcast_in_dim3A : vector<32x8x1xi1> to vector<32x8x768xi1>
      %select_n3A_487 = arith.select %broadcast_in_dim3A_486, %slice3A, %slice3A_485 : vector<32x8x768xi1>, vector<32x8x768xf32>
      %reshape3A_488 = vector.shape_cast %select_n3A_487 : vector<32x8x768xf32> to vector<256x768xf32>
      %swap3A = arith.constant 0 : index
      %swap3A_489 = arith.constant 0 : index
      %swap3A_490 = arith.constant 0 : index
      %swap3A_491 = vector.load %arg3[%swap3A, %swap3A_489, %swap3A_490] : memref<1x2048x768xf32, #tpu.memory_space<vmem>>, vector<1x256x768xf32>
      %swap3A_492 = vector.shape_cast %swap3A_491 : vector<1x256x768xf32> to vector<256x768xf32>
      %swap3A_493 = vector.shape_cast %reshape3A_488 : vector<256x768xf32> to vector<1x256x768xf32>
      tpu.vector_store %arg3[%swap3A, %swap3A_489, %swap3A_490], %swap3A_493 {strides = array<i32>} : memref<1x2048x768xf32, #tpu.memory_space<vmem>>, vector<1x256x768xf32>,
    } else {
    }
    %not3A_39 = arith.constant true
    %not3A_40 = arith.xori %gt3A_26, %not3A_39 : i1
    %and3A_41 = arith.andi %and3A_33, %not3A_40 : i1
    %convert_element_type3A_42 = arith.extui %and3A_41 : i1 to i32
    %cond3A_43 = arith.constant 0 : i32
    %cond3A_44 = arith.cmpi ne, %convert_element_type3A_42, %cond3A_43 : i32
    scf.if %cond3A_44 {
      %min3A = arith.constant 1784 : i32
      %min3A_471 = arith.minsi %mul3A_25, %min3A : i32
      %multiple_of3A = tpu.assume_multiple %min3A_471, 8 : i32
      %get3A_472 = arith.constant 0 : index
      %get3A_473 = arith.index_cast %multiple_of3A : i32 to index
      %get3A_474 = arith.constant 0 : index
      %get3A_475 = vector.load %arg2[%get3A_472, %get3A_473, %get3A_474] : memref<1x2048x768xf32, #tpu.memory_space<vmem>>, vector<1x264x768xf32>
      %get3A_476 = vector.shape_cast %get3A_475 : vector<1x264x768xf32> to vector<264x768xf32>
      %reshape3A = vector.shape_cast %get3A_476 : vector<264x768xf32> to vector<33x8x768xf32>
      %sub3A_477 = arith.constant 8 : i32
      %sub3A_478 = arith.subi %sub3A_477, %rem3A_5 : i32
      %rem3A_479 = arith.constant 8 : i32
      %rem3A_480 = arith.remsi %sub3A_478, %rem3A_479 : i32
      %roll3A = tpu.dynamic_rotate %reshape3A by %rem3A_480 dim 1 : vector<33x8x768xf32>, i32 -> vector<33x8x768xf32>
      %iota3A = tpu.iota {dimensions = array<i32: 1>} : vector<32x8x1xi32>
      %sub3A_481 = arith.constant 8 : i32
      %sub3A_482 = arith.subi %sub3A_481, %rem3A_5 : i32
      %lt3A_483 = vector.broadcast %sub3A_482 : i32 to vector<32x8x1xi32>
      %lt3A_484 = arith.cmpi slt, %iota3A, %lt3A_483 : vector<32x8x1xi32>
      %slice3A = vector.extract_strided_slice %roll3A {offsets = [0, 0, 0], sizes = [32, 8, 768], strides = [1, 1, 1]} : vector<33x8x768xf32> to vector<32x8x768xf32>
      %slice3A_485 = vector.extract_strided_slice %roll3A {offsets = [1, 0, 0], sizes = [32, 8, 768], strides = [1, 1, 1]} : vector<33x8x768xf32> to vector<32x8x768xf32>
      %broadcast_in_dim3A = vector.shape_cast %lt3A_484 : vector<32x8x1xi1> to vector<32x8x1xi1>
      %broadcast_in_dim3A_486 = vector.broadcast %broadcast_in_dim3A : vector<32x8x1xi1> to vector<32x8x768xi1>
      %select_n3A_487 = arith.select %broadcast_in_dim3A_486, %slice3A, %slice3A_485 : vector<32x8x768xi1>, vector<32x8x768xf32>
      %iota3A_488 = tpu.iota {dimensions = array<i32: 0>} : vector<32x8x1xi32>
      %mul3A_489 = arith.constant 8 : i32
      %mul3A_490 = vector.broadcast %mul3A_489 : i32 to vector<32x8x1xi32>
      %mul3A_491 = arith.muli %iota3A_488, %mul3A_490 : vector<32x8x1xi32>
      %add3A_492 = arith.addi %mul3A_491, %iota3A : vector<32x8x1xi32>
      %sub3A_493 = arith.constant 0 : i32
      %sub3A_494 = arith.subi %sub3A, %sub3A_493 : i32
      %lt3A_495 = vector.broadcast %sub3A_494 : i32 to vector<32x8x1xi32>
      %lt3A_496 = arith.cmpi slt, %add3A_492, %lt3A_495 : vector<32x8x1xi32>
      %jit3A_497 = arith.constant 0.000000e+00 : f32
      %broadcast_in_dim3A_498 = vector.shape_cast %lt3A_496 : vector<32x8x1xi1> to vector<32x8x1xi1>
      %broadcast_in_dim3A_499 = vector.broadcast %broadcast_in_dim3A_498 : vector<32x8x1xi1> to vector<32x8x768xi1>
      %broadcast_in_dim3A_500 = vector.broadcast %jit3A_497 : f32 to vector<32x8x768xf32>
      %select_n3A_501 = arith.select %broadcast_in_dim3A_499, %select_n3A_487, %broadcast_in_dim3A_500 : vector<32x8x768xi1>, vector<32x8x768xf32>
      %reshape3A_502 = vector.shape_cast %select_n3A_501 : vector<32x8x768xf32> to vector<256x768xf32>
      %swap3A = arith.constant 0 : index
      %swap3A_503 = arith.constant 0 : index
      %swap3A_504 = arith.constant 0 : index
      %swap3A_505 = vector.load %arg3[%swap3A, %swap3A_503, %swap3A_504] : memref<1x2048x768xf32, #tpu.memory_space<vmem>>, vector<1x256x768xf32>
      %swap3A_506 = vector.shape_cast %swap3A_505 : vector<1x256x768xf32> to vector<256x768xf32>
      %swap3A_507 = vector.shape_cast %reshape3A_502 : vector<256x768xf32> to vector<1x256x768xf32>
      tpu.vector_store %arg3[%swap3A, %swap3A_503, %swap3A_504], %swap3A_507 {strides = array<i32>} : memref<1x2048x768xf32, #tpu.memory_space<vmem>>, vector<1x256x768xf32>,
    } else {
    }
    %gt3A_45 = arith.constant 0 : i32
    %gt3A_46 = arith.cmpi sgt, %sub3A, %gt3A_45 : i32
    %and3A_47 = arith.andi %gt3A_46, %gt3A_26 : i1
    %convert_element_type3A_48 = arith.extui %and3A_47 : i1 to i32
    %cond3A_49 = arith.constant 0 : i32
    %cond3A_50 = arith.cmpi ne, %convert_element_type3A_48, %cond3A_49 : i32
    scf.if %cond3A_50 {
      %min3A = arith.constant 1784 : i32
      %min3A_471 = arith.minsi %mul3A_25, %min3A : i32
      %multiple_of3A = tpu.assume_multiple %min3A_471, 8 : i32
      %add3A_472 = arith.constant 0 : i32
      %add3A_473 = arith.addi %get3A_1, %add3A_472 : i32
      %sub3A_474 = arith.subi %add3A_473, %multiple_of3A : i32
      %get3A_475 = arith.constant 0 : index
      %get3A_476 = arith.index_cast %multiple_of3A : i32 to index
      %get3A_477 = arith.constant 0 : index
      %get3A_478 = vector.load %arg2[%get3A_475, %get3A_476, %get3A_477] : memref<1x2048x768xf32, #tpu.memory_space<vmem>>, vector<1x264x768xf32>
      %get3A_479 = vector.shape_cast %get3A_478 : vector<1x264x768xf32> to vector<264x768xf32>
      %sub3A_480 = arith.constant 264 : i32
      %sub3A_481 = arith.subi %sub3A_480, %sub3A_474 : i32
      %rem3A_482 = arith.constant 264 : i32
      %rem3A_483 = arith.remsi %sub3A_481, %rem3A_482 : i32
      %roll3A = tpu.dynamic_rotate %get3A_479 by %rem3A_483 dim 0 : vector<264x768xf32>, i32 -> vector<264x768xf32>
      %iota3A = tpu.iota {dimensions = array<i32: 0>} : vector<256x1xi32>
      %sub3A_484 = arith.constant 0 : i32
      %sub3A_485 = arith.subi %sub3A, %sub3A_484 : i32
      %lt3A_486 = vector.broadcast %sub3A_485 : i32 to vector<256x1xi32>
      %lt3A_487 = arith.cmpi slt, %iota3A, %lt3A_486 : vector<256x1xi32>
      %slice3A = vector.extract_strided_slice %roll3A {offsets = [0, 0], sizes = [256, 768], strides = [1, 1]} : vector<264x768xf32> to vector<256x768xf32>
      %jit3A_488 = arith.constant 0.000000e+00 : f32
      %broadcast_in_dim3A = vector.shape_cast %lt3A_487 : vector<256x1xi1> to vector<256x1xi1>
      %broadcast_in_dim3A_489 = vector.broadcast %broadcast_in_dim3A : vector<256x1xi1> to vector<256x768xi1>
      %broadcast_in_dim3A_490 = vector.broadcast %jit3A_488 : f32 to vector<256x768xf32>
      %select_n3A_491 = arith.select %broadcast_in_dim3A_489, %slice3A, %broadcast_in_dim3A_490 : vector<256x768xi1>, vector<256x768xf32>
      %swap3A = arith.constant 0 : index
      %swap3A_492 = arith.constant 0 : index
      %swap3A_493 = arith.constant 0 : index
      %swap3A_494 = vector.load %arg3[%swap3A, %swap3A_492, %swap3A_493] : memref<1x2048x768xf32, #tpu.memory_space<vmem>>, vector<1x256x768xf32>
      %swap3A_495 = vector.shape_cast %swap3A_494 : vector<1x256x768xf32> to vector<256x768xf32>
      %swap3A_496 = vector.shape_cast %select_n3A_491 : vector<256x768xf32> to vector<1x256x768xf32>
      tpu.vector_store %arg3[%swap3A, %swap3A_492, %swap3A_493], %swap3A_496 {strides = array<i32>} : memref<1x2048x768xf32, #tpu.memory_space<vmem>>, vector<1x256x768xf32>,
    } else {
    }
    %add3A_51 = arith.constant 256 : i32
    %add3A_52 = arith.addi %get3A_1, %add3A_51 : i32
    %jit3A_53 = arith.constant 8 : i32
    %div3A_54 = arith.divsi %add3A_52, %jit3A_53 : i32
    %sign3A_55 = arith.constant 0 : i32
    %sign3A_56 = arith.cmpi sgt, %add3A_52, %sign3A_55 : i32
    %sign3A_57 = arith.extui %sign3A_56 : i1 to i32
    %sign3A_58 = arith.constant 0 : i32
    %sign3A_59 = arith.cmpi slt, %add3A_52, %sign3A_58 : i32
    %sign3A_60 = arith.extui %sign3A_59 : i1 to i32
    %sign3A_61 = arith.subi %sign3A_57, %sign3A_60 : i32
    %sign3A_62 = arith.constant 0 : i32
    %sign3A_63 = arith.cmpi sgt, %jit3A_53, %sign3A_62 : i32
    %sign3A_64 = arith.extui %sign3A_63 : i1 to i32
    %sign3A_65 = arith.constant 0 : i32
    %sign3A_66 = arith.cmpi slt, %jit3A_53, %sign3A_65 : i32
    %sign3A_67 = arith.extui %sign3A_66 : i1 to i32
    %sign3A_68 = arith.subi %sign3A_64, %sign3A_67 : i32
    %ne3A_69 = arith.cmpi ne, %sign3A_61, %sign3A_68 : i32
    %rem3A_70 = arith.remsi %add3A_52, %jit3A_53 : i32
    %ne3A_71 = arith.constant 0 : i32
    %ne3A_72 = arith.cmpi ne, %rem3A_70, %ne3A_71 : i32
    %and3A_73 = arith.andi %ne3A_69, %ne3A_72 : i1
    %sub3A_74 = arith.constant 1 : i32
    %sub3A_75 = arith.subi %div3A_54, %sub3A_74 : i32
    %select_n3A_76 = arith.select %and3A_73, %sub3A_75, %div3A_54 : i32
    %mul3A_77 = arith.constant 8 : i32
    %mul3A_78 = arith.muli %select_n3A_76, %mul3A_77 : i32
    %gt3A_79 = arith.constant 1784 : i32
    %gt3A_80 = arith.cmpi sgt, %mul3A_78, %gt3A_79 : i32
    %le3A_81 = arith.constant 256 : i32
    %le3A_82 = arith.cmpi sle, %sub3A, %le3A_81 : i32
    %convert_element_type3A_83 = arith.extui %le3A_82 : i1 to i32
    %cond3A_84 = arith.constant 0 : i32
    %cond3A_85 = arith.cmpi ne, %convert_element_type3A_83, %cond3A_84 : i32
    scf.if %cond3A_85 {
      %broadcast_in_dim3A = arith.constant 0.000000e+00 : f32
      %broadcast_in_dim3A_471 = vector.broadcast %broadcast_in_dim3A : f32 to vector<256x768xf32>
      %swap3A = arith.constant 0 : index
      %swap3A_472 = arith.constant 256 : index
      %swap3A_473 = arith.constant 0 : index
      %swap3A_474 = vector.load %arg3[%swap3A, %swap3A_472, %swap3A_473] : memref<1x2048x768xf32, #tpu.memory_space<vmem>>, vector<1x256x768xf32>
      %swap3A_475 = vector.shape_cast %swap3A_474 : vector<1x256x768xf32> to vector<256x768xf32>
      %swap3A_476 = vector.shape_cast %broadcast_in_dim3A_471 : vector<256x768xf32> to vector<1x256x768xf32>
      tpu.vector_store %arg3[%swap3A, %swap3A_472, %swap3A_473], %swap3A_476 {strides = array<i32>} : memref<1x2048x768xf32, #tpu.memory_space<vmem>>, vector<1x256x768xf32>,
    } else {
    }
    %ge3A_86 = arith.constant 512 : i32
    %ge3A_87 = arith.cmpi sge, %sub3A, %ge3A_86 : i32
    %gt3A_88 = arith.constant 256 : i32
    %gt3A_89 = arith.cmpi sgt, %sub3A, %gt3A_88 : i32
    %lt3A_90 = arith.constant 512 : i32
    %lt3A_91 = arith.cmpi slt, %sub3A, %lt3A_90 : i32
    %and3A_92 = arith.andi %gt3A_89, %lt3A_91 : i1
    %not3A_93 = arith.constant true
    %not3A_94 = arith.xori %gt3A_80, %not3A_93 : i1
    %and3A_95 = arith.andi %ge3A_87, %not3A_94 : i1
    %convert_element_type3A_96 = arith.extui %and3A_95 : i1 to i32
    %cond3A_97 = arith.constant 0 : i32
    %cond3A_98 = arith.cmpi ne, %convert_element_type3A_96, %cond3A_97 : i32
    scf.if %cond3A_98 {
      %min3A = arith.constant 1784 : i32
      %min3A_471 = arith.minsi %mul3A_78, %min3A : i32
      %multiple_of3A = tpu.assume_multiple %min3A_471, 8 : i32
      %get3A_472 = arith.constant 0 : index
      %get3A_473 = arith.index_cast %multiple_of3A : i32 to index
      %get3A_474 = arith.constant 0 : index
      %get3A_475 = vector.load %arg2[%get3A_472, %get3A_473, %get3A_474] : memref<1x2048x768xf32, #tpu.memory_space<vmem>>, vector<1x264x768xf32>
      %get3A_476 = vector.shape_cast %get3A_475 : vector<1x264x768xf32> to vector<264x768xf32>
      %reshape3A = vector.shape_cast %get3A_476 : vector<264x768xf32> to vector<33x8x768xf32>
      %sub3A_477 = arith.constant 8 : i32
      %sub3A_478 = arith.subi %sub3A_477, %rem3A_5 : i32
      %rem3A_479 = arith.constant 8 : i32
      %rem3A_480 = arith.remsi %sub3A_478, %rem3A_479 : i32
      %roll3A = tpu.dynamic_rotate %reshape3A by %rem3A_480 dim 1 : vector<33x8x768xf32>, i32 -> vector<33x8x768xf32>
      %iota3A = tpu.iota {dimensions = array<i32: 1>} : vector<32x8x1xi32>
      %sub3A_481 = arith.constant 8 : i32
      %sub3A_482 = arith.subi %sub3A_481, %rem3A_5 : i32
      %lt3A_483 = vector.broadcast %sub3A_482 : i32 to vector<32x8x1xi32>
      %lt3A_484 = arith.cmpi slt, %iota3A, %lt3A_483 : vector<32x8x1xi32>
      %slice3A = vector.extract_strided_slice %roll3A {offsets = [0, 0, 0], sizes = [32, 8, 768], strides = [1, 1, 1]} : vector<33x8x768xf32> to vector<32x8x768xf32>
      %slice3A_485 = vector.extract_strided_slice %roll3A {offsets = [1, 0, 0], sizes = [32, 8, 768], strides = [1, 1, 1]} : vector<33x8x768xf32> to vector<32x8x768xf32>
      %broadcast_in_dim3A = vector.shape_cast %lt3A_484 : vector<32x8x1xi1> to vector<32x8x1xi1>
      %broadcast_in_dim3A_486 = vector.broadcast %broadcast_in_dim3A : vector<32x8x1xi1> to vector<32x8x768xi1>
      %select_n3A_487 = arith.select %broadcast_in_dim3A_486, %slice3A, %slice3A_485 : vector<32x8x768xi1>, vector<32x8x768xf32>
      %reshape3A_488 = vector.shape_cast %select_n3A_487 : vector<32x8x768xf32> to vector<256x768xf32>
      %swap3A = arith.constant 0 : index
      %swap3A_489 = arith.constant 256 : index
      %swap3A_490 = arith.constant 0 : index
      %swap3A_491 = vector.load %arg3[%swap3A, %swap3A_489, %swap3A_490] : memref<1x2048x768xf32, #tpu.memory_space<vmem>>, vector<1x256x768xf32>
      %swap3A_492 = vector.shape_cast %swap3A_491 : vector<1x256x768xf32> to vector<256x768xf32>
      %swap3A_493 = vector.shape_cast %reshape3A_488 : vector<256x768xf32> to vector<1x256x768xf32>
      tpu.vector_store %arg3[%swap3A, %swap3A_489, %swap3A_490], %swap3A_493 {strides = array<i32>} : memref<1x2048x768xf32, #tpu.memory_space<vmem>>, vector<1x256x768xf32>,
    } else {
    }
    %not3A_99 = arith.constant true
    %not3A_100 = arith.xori %gt3A_80, %not3A_99 : i1
    %and3A_101 = arith.andi %and3A_92, %not3A_100 : i1
    %convert_element_type3A_102 = arith.extui %and3A_101 : i1 to i32
    %cond3A_103 = arith.constant 0 : i32
    %cond3A_104 = arith.cmpi ne, %convert_element_type3A_102, %cond3A_103 : i32
    scf.if %cond3A_104 {
      %min3A = arith.constant 1784 : i32
      %min3A_471 = arith.minsi %mul3A_78, %min3A : i32
      %multiple_of3A = tpu.assume_multiple %min3A_471, 8 : i32
      %get3A_472 = arith.constant 0 : index
      %get3A_473 = arith.index_cast %multiple_of3A : i32 to index
      %get3A_474 = arith.constant 0 : index
      %get3A_475 = vector.load %arg2[%get3A_472, %get3A_473, %get3A_474] : memref<1x2048x768xf32, #tpu.memory_space<vmem>>, vector<1x264x768xf32>
      %get3A_476 = vector.shape_cast %get3A_475 : vector<1x264x768xf32> to vector<264x768xf32>
      %reshape3A = vector.shape_cast %get3A_476 : vector<264x768xf32> to vector<33x8x768xf32>
      %sub3A_477 = arith.constant 8 : i32
      %sub3A_478 = arith.subi %sub3A_477, %rem3A_5 : i32
      %rem3A_479 = arith.constant 8 : i32
      %rem3A_480 = arith.remsi %sub3A_478, %rem3A_479 : i32
      %roll3A = tpu.dynamic_rotate %reshape3A by %rem3A_480 dim 1 : vector<33x8x768xf32>, i32 -> vector<33x8x768xf32>
      %iota3A = tpu.iota {dimensions = array<i32: 1>} : vector<32x8x1xi32>
      %sub3A_481 = arith.constant 8 : i32
      %sub3A_482 = arith.subi %sub3A_481, %rem3A_5 : i32
      %lt3A_483 = vector.broadcast %sub3A_482 : i32 to vector<32x8x1xi32>
      %lt3A_484 = arith.cmpi slt, %iota3A, %lt3A_483 : vector<32x8x1xi32>
      %slice3A = vector.extract_strided_slice %roll3A {offsets = [0, 0, 0], sizes = [32, 8, 768], strides = [1, 1, 1]} : vector<33x8x768xf32> to vector<32x8x768xf32>
      %slice3A_485 = vector.extract_strided_slice %roll3A {offsets = [1, 0, 0], sizes = [32, 8, 768], strides = [1, 1, 1]} : vector<33x8x768xf32> to vector<32x8x768xf32>
      %broadcast_in_dim3A = vector.shape_cast %lt3A_484 : vector<32x8x1xi1> to vector<32x8x1xi1>
      %broadcast_in_dim3A_486 = vector.broadcast %broadcast_in_dim3A : vector<32x8x1xi1> to vector<32x8x768xi1>
      %select_n3A_487 = arith.select %broadcast_in_dim3A_486, %slice3A, %slice3A_485 : vector<32x8x768xi1>, vector<32x8x768xf32>
      %iota3A_488 = tpu.iota {dimensions = array<i32: 0>} : vector<32x8x1xi32>
      %mul3A_489 = arith.constant 8 : i32
      %mul3A_490 = vector.broadcast %mul3A_489 : i32 to vector<32x8x1xi32>
      %mul3A_491 = arith.muli %iota3A_488, %mul3A_490 : vector<32x8x1xi32>
      %add3A_492 = arith.addi %mul3A_491, %iota3A : vector<32x8x1xi32>
      %sub3A_493 = arith.constant 256 : i32
      %sub3A_494 = arith.subi %sub3A, %sub3A_493 : i32
      %lt3A_495 = vector.broadcast %sub3A_494 : i32 to vector<32x8x1xi32>
      %lt3A_496 = arith.cmpi slt, %add3A_492, %lt3A_495 : vector<32x8x1xi32>
      %jit3A_497 = arith.constant 0.000000e+00 : f32
      %broadcast_in_dim3A_498 = vector.shape_cast %lt3A_496 : vector<32x8x1xi1> to vector<32x8x1xi1>
      %broadcast_in_dim3A_499 = vector.broadcast %broadcast_in_dim3A_498 : vector<32x8x1xi1> to vector<32x8x768xi1>
      %broadcast_in_dim3A_500 = vector.broadcast %jit3A_497 : f32 to vector<32x8x768xf32>
      %select_n3A_501 = arith.select %broadcast_in_dim3A_499, %select_n3A_487, %broadcast_in_dim3A_500 : vector<32x8x768xi1>, vector<32x8x768xf32>
      %reshape3A_502 = vector.shape_cast %select_n3A_501 : vector<32x8x768xf32> to vector<256x768xf32>
      %swap3A = arith.constant 0 : index
      %swap3A_503 = arith.constant 256 : index
      %swap3A_504 = arith.constant 0 : index
      %swap3A_505 = vector.load %arg3[%swap3A, %swap3A_503, %swap3A_504] : memref<1x2048x768xf32, #tpu.memory_space<vmem>>, vector<1x256x768xf32>
      %swap3A_506 = vector.shape_cast %swap3A_505 : vector<1x256x768xf32> to vector<256x768xf32>
      %swap3A_507 = vector.shape_cast %reshape3A_502 : vector<256x768xf32> to vector<1x256x768xf32>
      tpu.vector_store %arg3[%swap3A, %swap3A_503, %swap3A_504], %swap3A_507 {strides = array<i32>} : memref<1x2048x768xf32, #tpu.memory_space<vmem>>, vector<1x256x768xf32>,
    } else {
    }
    %gt3A_105 = arith.constant 256 : i32
    %gt3A_106 = arith.cmpi sgt, %sub3A, %gt3A_105 : i32
    %and3A_107 = arith.andi %gt3A_106, %gt3A_80 : i1
    %convert_element_type3A_108 = arith.extui %and3A_107 : i1 to i32
    %cond3A_109 = arith.constant 0 : i32
    %cond3A_110 = arith.cmpi ne, %convert_element_type3A_108, %cond3A_109 : i32
    scf.if %cond3A_110 {
      %min3A = arith.constant 1784 : i32
      %min3A_471 = arith.minsi %mul3A_78, %min3A : i32
      %multiple_of3A = tpu.assume_multiple %min3A_471, 8 : i32
      %add3A_472 = arith.constant 256 : i32
      %add3A_473 = arith.addi %get3A_1, %add3A_472 : i32
      %sub3A_474 = arith.subi %add3A_473, %multiple_of3A : i32
      %get3A_475 = arith.constant 0 : index
      %get3A_476 = arith.index_cast %multiple_of3A : i32 to index
      %get3A_477 = arith.constant 0 : index
      %get3A_478 = vector.load %arg2[%get3A_475, %get3A_476, %get3A_477] : memref<1x2048x768xf32, #tpu.memory_space<vmem>>, vector<1x264x768xf32>
      %get3A_479 = vector.shape_cast %get3A_478 : vector<1x264x768xf32> to vector<264x768xf32>
      %sub3A_480 = arith.constant 264 : i32
      %sub3A_481 = arith.subi %sub3A_480, %sub3A_474 : i32
      %rem3A_482 = arith.constant 264 : i32
      %rem3A_483 = arith.remsi %sub3A_481, %rem3A_482 : i32
      %roll3A = tpu.dynamic_rotate %get3A_479 by %rem3A_483 dim 0 : vector<264x768xf32>, i32 -> vector<264x768xf32>
      %iota3A = tpu.iota {dimensions = array<i32: 0>} : vector<256x1xi32>
      %sub3A_484 = arith.constant 256 : i32
      %sub3A_485 = arith.subi %sub3A, %sub3A_484 : i32
      %lt3A_486 = vector.broadcast %sub3A_485 : i32 to vector<256x1xi32>
      %lt3A_487 = arith.cmpi slt, %iota3A, %lt3A_486 : vector<256x1xi32>
      %slice3A = vector.extract_strided_slice %roll3A {offsets = [0, 0], sizes = [256, 768], strides = [1, 1]} : vector<264x768xf32> to vector<256x768xf32>
      %jit3A_488 = arith.constant 0.000000e+00 : f32
      %broadcast_in_dim3A = vector.shape_cast %lt3A_487 : vector<256x1xi1> to vector<256x1xi1>
      %broadcast_in_dim3A_489 = vector.broadcast %broadcast_in_dim3A : vector<256x1xi1> to vector<256x768xi1>
      %broadcast_in_dim3A_490 = vector.broadcast %jit3A_488 : f32 to vector<256x768xf32>
      %select_n3A_491 = arith.select %broadcast_in_dim3A_489, %slice3A, %broadcast_in_dim3A_490 : vector<256x768xi1>, vector<256x768xf32>
      %swap3A = arith.constant 0 : index
      %swap3A_492 = arith.constant 256 : index
      %swap3A_493 = arith.constant 0 : index
      %swap3A_494 = vector.load %arg3[%swap3A, %swap3A_492, %swap3A_493] : memref<1x2048x768xf32, #tpu.memory_space<vmem>>, vector<1x256x768xf32>
      %swap3A_495 = vector.shape_cast %swap3A_494 : vector<1x256x768xf32> to vector<256x768xf32>
      %swap3A_496 = vector.shape_cast %select_n3A_491 : vector<256x768xf32> to vector<1x256x768xf32>
      tpu.vector_store %arg3[%swap3A, %swap3A_492, %swap3A_493], %swap3A_496 {strides = array<i32>} : memref<1x2048x768xf32, #tpu.memory_space<vmem>>, vector<1x256x768xf32>,
    } else {
    }
    %add3A_111 = arith.constant 512 : i32
    %add3A_112 = arith.addi %get3A_1, %add3A_111 : i32
    %jit3A_113 = arith.constant 8 : i32
    %div3A_114 = arith.divsi %add3A_112, %jit3A_113 : i32
    %sign3A_115 = arith.constant 0 : i32
    %sign3A_116 = arith.cmpi sgt, %add3A_112, %sign3A_115 : i32
    %sign3A_117 = arith.extui %sign3A_116 : i1 to i32
    %sign3A_118 = arith.constant 0 : i32
    %sign3A_119 = arith.cmpi slt, %add3A_112, %sign3A_118 : i32
    %sign3A_120 = arith.extui %sign3A_119 : i1 to i32
    %sign3A_121 = arith.subi %sign3A_117, %sign3A_120 : i32
    %sign3A_122 = arith.constant 0 : i32
    %sign3A_123 = arith.cmpi sgt, %jit3A_113, %sign3A_122 : i32
    %sign3A_124 = arith.extui %sign3A_123 : i1 to i32
    %sign3A_125 = arith.constant 0 : i32
    %sign3A_126 = arith.cmpi slt, %jit3A_113, %sign3A_125 : i32
    %sign3A_127 = arith.extui %sign3A_126 : i1 to i32
    %sign3A_128 = arith.subi %sign3A_124, %sign3A_127 : i32
    %ne3A_129 = arith.cmpi ne, %sign3A_121, %sign3A_128 : i32
    %rem3A_130 = arith.remsi %add3A_112, %jit3A_113 : i32
    %ne3A_131 = arith.constant 0 : i32
    %ne3A_132 = arith.cmpi ne, %rem3A_130, %ne3A_131 : i32
    %and3A_133 = arith.andi %ne3A_129, %ne3A_132 : i1
    %sub3A_134 = arith.constant 1 : i32
    %sub3A_135 = arith.subi %div3A_114, %sub3A_134 : i32
    %select_n3A_136 = arith.select %and3A_133, %sub3A_135, %div3A_114 : i32
    %mul3A_137 = arith.constant 8 : i32
    %mul3A_138 = arith.muli %select_n3A_136, %mul3A_137 : i32
    %gt3A_139 = arith.constant 1784 : i32
    %gt3A_140 = arith.cmpi sgt, %mul3A_138, %gt3A_139 : i32
    %le3A_141 = arith.constant 512 : i32
    %le3A_142 = arith.cmpi sle, %sub3A, %le3A_141 : i32
    %convert_element_type3A_143 = arith.extui %le3A_142 : i1 to i32
    %cond3A_144 = arith.constant 0 : i32
    %cond3A_145 = arith.cmpi ne, %convert_element_type3A_143, %cond3A_144 : i32
    scf.if %cond3A_145 {
      %broadcast_in_dim3A = arith.constant 0.000000e+00 : f32
      %broadcast_in_dim3A_471 = vector.broadcast %broadcast_in_dim3A : f32 to vector<256x768xf32>
      %swap3A = arith.constant 0 : index
      %swap3A_472 = arith.constant 512 : index
      %swap3A_473 = arith.constant 0 : index
      %swap3A_474 = vector.load %arg3[%swap3A, %swap3A_472, %swap3A_473] : memref<1x2048x768xf32, #tpu.memory_space<vmem>>, vector<1x256x768xf32>
      %swap3A_475 = vector.shape_cast %swap3A_474 : vector<1x256x768xf32> to vector<256x768xf32>
      %swap3A_476 = vector.shape_cast %broadcast_in_dim3A_471 : vector<256x768xf32> to vector<1x256x768xf32>
      tpu.vector_store %arg3[%swap3A, %swap3A_472, %swap3A_473], %swap3A_476 {strides = array<i32>} : memref<1x2048x768xf32, #tpu.memory_space<vmem>>, vector<1x256x768xf32>,
    } else {
    }
    %ge3A_146 = arith.constant 768 : i32
    %ge3A_147 = arith.cmpi sge, %sub3A, %ge3A_146 : i32
    %gt3A_148 = arith.constant 512 : i32
    %gt3A_149 = arith.cmpi sgt, %sub3A, %gt3A_148 : i32
    %lt3A_150 = arith.constant 768 : i32
    %lt3A_151 = arith.cmpi slt, %sub3A, %lt3A_150 : i32
    %and3A_152 = arith.andi %gt3A_149, %lt3A_151 : i1
    %not3A_153 = arith.constant true
    %not3A_154 = arith.xori %gt3A_140, %not3A_153 : i1
    %and3A_155 = arith.andi %ge3A_147, %not3A_154 : i1
    %convert_element_type3A_156 = arith.extui %and3A_155 : i1 to i32
    %cond3A_157 = arith.constant 0 : i32
    %cond3A_158 = arith.cmpi ne, %convert_element_type3A_156, %cond3A_157 : i32
    scf.if %cond3A_158 {
      %min3A = arith.constant 1784 : i32
      %min3A_471 = arith.minsi %mul3A_138, %min3A : i32
      %multiple_of3A = tpu.assume_multiple %min3A_471, 8 : i32
      %get3A_472 = arith.constant 0 : index
      %get3A_473 = arith.index_cast %multiple_of3A : i32 to index
      %get3A_474 = arith.constant 0 : index
      %get3A_475 = vector.load %arg2[%get3A_472, %get3A_473, %get3A_474] : memref<1x2048x768xf32, #tpu.memory_space<vmem>>, vector<1x264x768xf32>
      %get3A_476 = vector.shape_cast %get3A_475 : vector<1x264x768xf32> to vector<264x768xf32>
      %reshape3A = vector.shape_cast %get3A_476 : vector<264x768xf32> to vector<33x8x768xf32>
      %sub3A_477 = arith.constant 8 : i32
      %sub3A_478 = arith.subi %sub3A_477, %rem3A_5 : i32
      %rem3A_479 = arith.constant 8 : i32
      %rem3A_480 = arith.remsi %sub3A_478, %rem3A_479 : i32
      %roll3A = tpu.dynamic_rotate %reshape3A by %rem3A_480 dim 1 : vector<33x8x768xf32>, i32 -> vector<33x8x768xf32>
      %iota3A = tpu.iota {dimensions = array<i32: 1>} : vector<32x8x1xi32>
      %sub3A_481 = arith.constant 8 : i32
      %sub3A_482 = arith.subi %sub3A_481, %rem3A_5 : i32
      %lt3A_483 = vector.broadcast %sub3A_482 : i32 to vector<32x8x1xi32>
      %lt3A_484 = arith.cmpi slt, %iota3A, %lt3A_483 : vector<32x8x1xi32>
      %slice3A = vector.extract_strided_slice %roll3A {offsets = [0, 0, 0], sizes = [32, 8, 768], strides = [1, 1, 1]} : vector<33x8x768xf32> to vector<32x8x768xf32>
      %slice3A_485 = vector.extract_strided_slice %roll3A {offsets = [1, 0, 0], sizes = [32, 8, 768], strides = [1, 1, 1]} : vector<33x8x768xf32> to vector<32x8x768xf32>
      %broadcast_in_dim3A = vector.shape_cast %lt3A_484 : vector<32x8x1xi1> to vector<32x8x1xi1>
      %broadcast_in_dim3A_486 = vector.broadcast %broadcast_in_dim3A : vector<32x8x1xi1> to vector<32x8x768xi1>
      %select_n3A_487 = arith.select %broadcast_in_dim3A_486, %slice3A, %slice3A_485 : vector<32x8x768xi1>, vector<32x8x768xf32>
      %reshape3A_488 = vector.shape_cast %select_n3A_487 : vector<32x8x768xf32> to vector<256x768xf32>
      %swap3A = arith.constant 0 : index
      %swap3A_489 = arith.constant 512 : index
      %swap3A_490 = arith.constant 0 : index
      %swap3A_491 = vector.load %arg3[%swap3A, %swap3A_489, %swap3A_490] : memref<1x2048x768xf32, #tpu.memory_space<vmem>>, vector<1x256x768xf32>
      %swap3A_492 = vector.shape_cast %swap3A_491 : vector<1x256x768xf32> to vector<256x768xf32>
      %swap3A_493 = vector.shape_cast %reshape3A_488 : vector<256x768xf32> to vector<1x256x768xf32>
      tpu.vector_store %arg3[%swap3A, %swap3A_489, %swap3A_490], %swap3A_493 {strides = array<i32>} : memref<1x2048x768xf32, #tpu.memory_space<vmem>>, vector<1x256x768xf32>,
    } else {
    }
    %not3A_159 = arith.constant true
    %not3A_160 = arith.xori %gt3A_140, %not3A_159 : i1
    %and3A_161 = arith.andi %and3A_152, %not3A_160 : i1
    %convert_element_type3A_162 = arith.extui %and3A_161 : i1 to i32
    %cond3A_163 = arith.constant 0 : i32
    %cond3A_164 = arith.cmpi ne, %convert_element_type3A_162, %cond3A_163 : i32
    scf.if %cond3A_164 {
      %min3A = arith.constant 1784 : i32
      %min3A_471 = arith.minsi %mul3A_138, %min3A : i32
      %multiple_of3A = tpu.assume_multiple %min3A_471, 8 : i32
      %get3A_472 = arith.constant 0 : index
      %get3A_473 = arith.index_cast %multiple_of3A : i32 to index
      %get3A_474 = arith.constant 0 : index
      %get3A_475 = vector.load %arg2[%get3A_472, %get3A_473, %get3A_474] : memref<1x2048x768xf32, #tpu.memory_space<vmem>>, vector<1x264x768xf32>
      %get3A_476 = vector.shape_cast %get3A_475 : vector<1x264x768xf32> to vector<264x768xf32>
      %reshape3A = vector.shape_cast %get3A_476 : vector<264x768xf32> to vector<33x8x768xf32>
      %sub3A_477 = arith.constant 8 : i32
      %sub3A_478 = arith.subi %sub3A_477, %rem3A_5 : i32
      %rem3A_479 = arith.constant 8 : i32
      %rem3A_480 = arith.remsi %sub3A_478, %rem3A_479 : i32
      %roll3A = tpu.dynamic_rotate %reshape3A by %rem3A_480 dim 1 : vector<33x8x768xf32>, i32 -> vector<33x8x768xf32>
      %iota3A = tpu.iota {dimensions = array<i32: 1>} : vector<32x8x1xi32>
      %sub3A_481 = arith.constant 8 : i32
      %sub3A_482 = arith.subi %sub3A_481, %rem3A_5 : i32
      %lt3A_483 = vector.broadcast %sub3A_482 : i32 to vector<32x8x1xi32>
      %lt3A_484 = arith.cmpi slt, %iota3A, %lt3A_483 : vector<32x8x1xi32>
      %slice3A = vector.extract_strided_slice %roll3A {offsets = [0, 0, 0], sizes = [32, 8, 768], strides = [1, 1, 1]} : vector<33x8x768xf32> to vector<32x8x768xf32>
      %slice3A_485 = vector.extract_strided_slice %roll3A {offsets = [1, 0, 0], sizes = [32, 8, 768], strides = [1, 1, 1]} : vector<33x8x768xf32> to vector<32x8x768xf32>
      %broadcast_in_dim3A = vector.shape_cast %lt3A_484 : vector<32x8x1xi1> to vector<32x8x1xi1>
      %broadcast_in_dim3A_486 = vector.broadcast %broadcast_in_dim3A : vector<32x8x1xi1> to vector<32x8x768xi1>
      %select_n3A_487 = arith.select %broadcast_in_dim3A_486, %slice3A, %slice3A_485 : vector<32x8x768xi1>, vector<32x8x768xf32>
      %iota3A_488 = tpu.iota {dimensions = array<i32: 0>} : vector<32x8x1xi32>
      %mul3A_489 = arith.constant 8 : i32
      %mul3A_490 = vector.broadcast %mul3A_489 : i32 to vector<32x8x1xi32>
      %mul3A_491 = arith.muli %iota3A_488, %mul3A_490 : vector<32x8x1xi32>
      %add3A_492 = arith.addi %mul3A_491, %iota3A : vector<32x8x1xi32>
      %sub3A_493 = arith.constant 512 : i32
      %sub3A_494 = arith.subi %sub3A, %sub3A_493 : i32
      %lt3A_495 = vector.broadcast %sub3A_494 : i32 to vector<32x8x1xi32>
      %lt3A_496 = arith.cmpi slt, %add3A_492, %lt3A_495 : vector<32x8x1xi32>
      %jit3A_497 = arith.constant 0.000000e+00 : f32
      %broadcast_in_dim3A_498 = vector.shape_cast %lt3A_496 : vector<32x8x1xi1> to vector<32x8x1xi1>
      %broadcast_in_dim3A_499 = vector.broadcast %broadcast_in_dim3A_498 : vector<32x8x1xi1> to vector<32x8x768xi1>
      %broadcast_in_dim3A_500 = vector.broadcast %jit3A_497 : f32 to vector<32x8x768xf32>
      %select_n3A_501 = arith.select %broadcast_in_dim3A_499, %select_n3A_487, %broadcast_in_dim3A_500 : vector<32x8x768xi1>, vector<32x8x768xf32>
      %reshape3A_502 = vector.shape_cast %select_n3A_501 : vector<32x8x768xf32> to vector<256x768xf32>
      %swap3A = arith.constant 0 : index
      %swap3A_503 = arith.constant 512 : index
      %swap3A_504 = arith.constant 0 : index
      %swap3A_505 = vector.load %arg3[%swap3A, %swap3A_503, %swap3A_504] : memref<1x2048x768xf32, #tpu.memory_space<vmem>>, vector<1x256x768xf32>
      %swap3A_506 = vector.shape_cast %swap3A_505 : vector<1x256x768xf32> to vector<256x768xf32>
      %swap3A_507 = vector.shape_cast %reshape3A_502 : vector<256x768xf32> to vector<1x256x768xf32>
      tpu.vector_store %arg3[%swap3A, %swap3A_503, %swap3A_504], %swap3A_507 {strides = array<i32>} : memref<1x2048x768xf32, #tpu.memory_space<vmem>>, vector<1x256x768xf32>,
    } else {
    }
    %gt3A_165 = arith.constant 512 : i32
    %gt3A_166 = arith.cmpi sgt, %sub3A, %gt3A_165 : i32
    %and3A_167 = arith.andi %gt3A_166, %gt3A_140 : i1
    %convert_element_type3A_168 = arith.extui %and3A_167 : i1 to i32
    %cond3A_169 = arith.constant 0 : i32
    %cond3A_170 = arith.cmpi ne, %convert_element_type3A_168, %cond3A_169 : i32
    scf.if %cond3A_170 {
      %min3A = arith.constant 1784 : i32
      %min3A_471 = arith.minsi %mul3A_138, %min3A : i32
      %multiple_of3A = tpu.assume_multiple %min3A_471, 8 : i32
      %add3A_472 = arith.constant 512 : i32
      %add3A_473 = arith.addi %get3A_1, %add3A_472 : i32
      %sub3A_474 = arith.subi %add3A_473, %multiple_of3A : i32
      %get3A_475 = arith.constant 0 : index
      %get3A_476 = arith.index_cast %multiple_of3A : i32 to index
      %get3A_477 = arith.constant 0 : index
      %get3A_478 = vector.load %arg2[%get3A_475, %get3A_476, %get3A_477] : memref<1x2048x768xf32, #tpu.memory_space<vmem>>, vector<1x264x768xf32>
      %get3A_479 = vector.shape_cast %get3A_478 : vector<1x264x768xf32> to vector<264x768xf32>
      %sub3A_480 = arith.constant 264 : i32
      %sub3A_481 = arith.subi %sub3A_480, %sub3A_474 : i32
      %rem3A_482 = arith.constant 264 : i32
      %rem3A_483 = arith.remsi %sub3A_481, %rem3A_482 : i32
      %roll3A = tpu.dynamic_rotate %get3A_479 by %rem3A_483 dim 0 : vector<264x768xf32>, i32 -> vector<264x768xf32>
      %iota3A = tpu.iota {dimensions = array<i32: 0>} : vector<256x1xi32>
      %sub3A_484 = arith.constant 512 : i32
      %sub3A_485 = arith.subi %sub3A, %sub3A_484 : i32
      %lt3A_486 = vector.broadcast %sub3A_485 : i32 to vector<256x1xi32>
      %lt3A_487 = arith.cmpi slt, %iota3A, %lt3A_486 : vector<256x1xi32>
      %slice3A = vector.extract_strided_slice %roll3A {offsets = [0, 0], sizes = [256, 768], strides = [1, 1]} : vector<264x768xf32> to vector<256x768xf32>
      %jit3A_488 = arith.constant 0.000000e+00 : f32
      %broadcast_in_dim3A = vector.shape_cast %lt3A_487 : vector<256x1xi1> to vector<256x1xi1>
      %broadcast_in_dim3A_489 = vector.broadcast %broadcast_in_dim3A : vector<256x1xi1> to vector<256x768xi1>
      %broadcast_in_dim3A_490 = vector.broadcast %jit3A_488 : f32 to vector<256x768xf32>
      %select_n3A_491 = arith.select %broadcast_in_dim3A_489, %slice3A, %broadcast_in_dim3A_490 : vector<256x768xi1>, vector<256x768xf32>
      %swap3A = arith.constant 0 : index
      %swap3A_492 = arith.constant 512 : index
      %swap3A_493 = arith.constant 0 : index
      %swap3A_494 = vector.load %arg3[%swap3A, %swap3A_492, %swap3A_493] : memref<1x2048x768xf32, #tpu.memory_space<vmem>>, vector<1x256x768xf32>
      %swap3A_495 = vector.shape_cast %swap3A_494 : vector<1x256x768xf32> to vector<256x768xf32>
      %swap3A_496 = vector.shape_cast %select_n3A_491 : vector<256x768xf32> to vector<1x256x768xf32>
      tpu.vector_store %arg3[%swap3A, %swap3A_492, %swap3A_493], %swap3A_496 {strides = array<i32>} : memref<1x2048x768xf32, #tpu.memory_space<vmem>>, vector<1x256x768xf32>,
    } else {
    }
    %add3A_171 = arith.constant 768 : i32
    %add3A_172 = arith.addi %get3A_1, %add3A_171 : i32
    %jit3A_173 = arith.constant 8 : i32
    %div3A_174 = arith.divsi %add3A_172, %jit3A_173 : i32
    %sign3A_175 = arith.constant 0 : i32
    %sign3A_176 = arith.cmpi sgt, %add3A_172, %sign3A_175 : i32
    %sign3A_177 = arith.extui %sign3A_176 : i1 to i32
    %sign3A_178 = arith.constant 0 : i32
    %sign3A_179 = arith.cmpi slt, %add3A_172, %sign3A_178 : i32
    %sign3A_180 = arith.extui %sign3A_179 : i1 to i32
    %sign3A_181 = arith.subi %sign3A_177, %sign3A_180 : i32
    %sign3A_182 = arith.constant 0 : i32
    %sign3A_183 = arith.cmpi sgt, %jit3A_173, %sign3A_182 : i32
    %sign3A_184 = arith.extui %sign3A_183 : i1 to i32
    %sign3A_185 = arith.constant 0 : i32
    %sign3A_186 = arith.cmpi slt, %jit3A_173, %sign3A_185 : i32
    %sign3A_187 = arith.extui %sign3A_186 : i1 to i32
    %sign3A_188 = arith.subi %sign3A_184, %sign3A_187 : i32
    %ne3A_189 = arith.cmpi ne, %sign3A_181, %sign3A_188 : i32
    %rem3A_190 = arith.remsi %add3A_172, %jit3A_173 : i32
    %ne3A_191 = arith.constant 0 : i32
    %ne3A_192 = arith.cmpi ne, %rem3A_190, %ne3A_191 : i32
    %and3A_193 = arith.andi %ne3A_189, %ne3A_192 : i1
    %sub3A_194 = arith.constant 1 : i32
    %sub3A_195 = arith.subi %div3A_174, %sub3A_194 : i32
    %select_n3A_196 = arith.select %and3A_193, %sub3A_195, %div3A_174 : i32
    %mul3A_197 = arith.constant 8 : i32
    %mul3A_198 = arith.muli %select_n3A_196, %mul3A_197 : i32
    %gt3A_199 = arith.constant 1784 : i32
    %gt3A_200 = arith.cmpi sgt, %mul3A_198, %gt3A_199 : i32
    %le3A_201 = arith.constant 768 : i32
    %le3A_202 = arith.cmpi sle, %sub3A, %le3A_201 : i32
    %convert_element_type3A_203 = arith.extui %le3A_202 : i1 to i32
    %cond3A_204 = arith.constant 0 : i32
    %cond3A_205 = arith.cmpi ne, %convert_element_type3A_203, %cond3A_204 : i32
    scf.if %cond3A_205 {
      %broadcast_in_dim3A = arith.constant 0.000000e+00 : f32
      %broadcast_in_dim3A_471 = vector.broadcast %broadcast_in_dim3A : f32 to vector<256x768xf32>
      %swap3A = arith.constant 0 : index
      %swap3A_472 = arith.constant 768 : index
      %swap3A_473 = arith.constant 0 : index
      %swap3A_474 = vector.load %arg3[%swap3A, %swap3A_472, %swap3A_473] : memref<1x2048x768xf32, #tpu.memory_space<vmem>>, vector<1x256x768xf32>
      %swap3A_475 = vector.shape_cast %swap3A_474 : vector<1x256x768xf32> to vector<256x768xf32>
      %swap3A_476 = vector.shape_cast %broadcast_in_dim3A_471 : vector<256x768xf32> to vector<1x256x768xf32>
      tpu.vector_store %arg3[%swap3A, %swap3A_472, %swap3A_473], %swap3A_476 {strides = array<i32>} : memref<1x2048x768xf32, #tpu.memory_space<vmem>>, vector<1x256x768xf32>,
    } else {
    }
    %ge3A_206 = arith.constant 1024 : i32
    %ge3A_207 = arith.cmpi sge, %sub3A, %ge3A_206 : i32
    %gt3A_208 = arith.constant 768 : i32
    %gt3A_209 = arith.cmpi sgt, %sub3A, %gt3A_208 : i32
    %lt3A_210 = arith.constant 1024 : i32
    %lt3A_211 = arith.cmpi slt, %sub3A, %lt3A_210 : i32
    %and3A_212 = arith.andi %gt3A_209, %lt3A_211 : i1
    %not3A_213 = arith.constant true
    %not3A_214 = arith.xori %gt3A_200, %not3A_213 : i1
    %and3A_215 = arith.andi %ge3A_207, %not3A_214 : i1
    %convert_element_type3A_216 = arith.extui %and3A_215 : i1 to i32
    %cond3A_217 = arith.constant 0 : i32
    %cond3A_218 = arith.cmpi ne, %convert_element_type3A_216, %cond3A_217 : i32
    scf.if %cond3A_218 {
      %min3A = arith.constant 1784 : i32
      %min3A_471 = arith.minsi %mul3A_198, %min3A : i32
      %multiple_of3A = tpu.assume_multiple %min3A_471, 8 : i32
      %get3A_472 = arith.constant 0 : index
      %get3A_473 = arith.index_cast %multiple_of3A : i32 to index
      %get3A_474 = arith.constant 0 : index
      %get3A_475 = vector.load %arg2[%get3A_472, %get3A_473, %get3A_474] : memref<1x2048x768xf32, #tpu.memory_space<vmem>>, vector<1x264x768xf32>
      %get3A_476 = vector.shape_cast %get3A_475 : vector<1x264x768xf32> to vector<264x768xf32>
      %reshape3A = vector.shape_cast %get3A_476 : vector<264x768xf32> to vector<33x8x768xf32>
      %sub3A_477 = arith.constant 8 : i32
      %sub3A_478 = arith.subi %sub3A_477, %rem3A_5 : i32
      %rem3A_479 = arith.constant 8 : i32
      %rem3A_480 = arith.remsi %sub3A_478, %rem3A_479 : i32
      %roll3A = tpu.dynamic_rotate %reshape3A by %rem3A_480 dim 1 : vector<33x8x768xf32>, i32 -> vector<33x8x768xf32>
      %iota3A = tpu.iota {dimensions = array<i32: 1>} : vector<32x8x1xi32>
      %sub3A_481 = arith.constant 8 : i32
      %sub3A_482 = arith.subi %sub3A_481, %rem3A_5 : i32
      %lt3A_483 = vector.broadcast %sub3A_482 : i32 to vector<32x8x1xi32>
      %lt3A_484 = arith.cmpi slt, %iota3A, %lt3A_483 : vector<32x8x1xi32>
      %slice3A = vector.extract_strided_slice %roll3A {offsets = [0, 0, 0], sizes = [32, 8, 768], strides = [1, 1, 1]} : vector<33x8x768xf32> to vector<32x8x768xf32>
      %slice3A_485 = vector.extract_strided_slice %roll3A {offsets = [1, 0, 0], sizes = [32, 8, 768], strides = [1, 1, 1]} : vector<33x8x768xf32> to vector<32x8x768xf32>
      %broadcast_in_dim3A = vector.shape_cast %lt3A_484 : vector<32x8x1xi1> to vector<32x8x1xi1>
      %broadcast_in_dim3A_486 = vector.broadcast %broadcast_in_dim3A : vector<32x8x1xi1> to vector<32x8x768xi1>
      %select_n3A_487 = arith.select %broadcast_in_dim3A_486, %slice3A, %slice3A_485 : vector<32x8x768xi1>, vector<32x8x768xf32>
      %reshape3A_488 = vector.shape_cast %select_n3A_487 : vector<32x8x768xf32> to vector<256x768xf32>
      %swap3A = arith.constant 0 : index
      %swap3A_489 = arith.constant 768 : index
      %swap3A_490 = arith.constant 0 : index
      %swap3A_491 = vector.load %arg3[%swap3A, %swap3A_489, %swap3A_490] : memref<1x2048x768xf32, #tpu.memory_space<vmem>>, vector<1x256x768xf32>
      %swap3A_492 = vector.shape_cast %swap3A_491 : vector<1x256x768xf32> to vector<256x768xf32>
      %swap3A_493 = vector.shape_cast %reshape3A_488 : vector<256x768xf32> to vector<1x256x768xf32>
      tpu.vector_store %arg3[%swap3A, %swap3A_489, %swap3A_490], %swap3A_493 {strides = array<i32>} : memref<1x2048x768xf32, #tpu.memory_space<vmem>>, vector<1x256x768xf32>,
    } else {
    }
    %not3A_219 = arith.constant true
    %not3A_220 = arith.xori %gt3A_200, %not3A_219 : i1
    %and3A_221 = arith.andi %and3A_212, %not3A_220 : i1
    %convert_element_type3A_222 = arith.extui %and3A_221 : i1 to i32
    %cond3A_223 = arith.constant 0 : i32
    %cond3A_224 = arith.cmpi ne, %convert_element_type3A_222, %cond3A_223 : i32
    scf.if %cond3A_224 {
      %min3A = arith.constant 1784 : i32
      %min3A_471 = arith.minsi %mul3A_198, %min3A : i32
      %multiple_of3A = tpu.assume_multiple %min3A_471, 8 : i32
      %get3A_472 = arith.constant 0 : index
      %get3A_473 = arith.index_cast %multiple_of3A : i32 to index
      %get3A_474 = arith.constant 0 : index
      %get3A_475 = vector.load %arg2[%get3A_472, %get3A_473, %get3A_474] : memref<1x2048x768xf32, #tpu.memory_space<vmem>>, vector<1x264x768xf32>
      %get3A_476 = vector.shape_cast %get3A_475 : vector<1x264x768xf32> to vector<264x768xf32>
      %reshape3A = vector.shape_cast %get3A_476 : vector<264x768xf32> to vector<33x8x768xf32>
      %sub3A_477 = arith.constant 8 : i32
      %sub3A_478 = arith.subi %sub3A_477, %rem3A_5 : i32
      %rem3A_479 = arith.constant 8 : i32
      %rem3A_480 = arith.remsi %sub3A_478, %rem3A_479 : i32
      %roll3A = tpu.dynamic_rotate %reshape3A by %rem3A_480 dim 1 : vector<33x8x768xf32>, i32 -> vector<33x8x768xf32>
      %iota3A = tpu.iota {dimensions = array<i32: 1>} : vector<32x8x1xi32>
      %sub3A_481 = arith.constant 8 : i32
      %sub3A_482 = arith.subi %sub3A_481, %rem3A_5 : i32
      %lt3A_483 = vector.broadcast %sub3A_482 : i32 to vector<32x8x1xi32>
      %lt3A_484 = arith.cmpi slt, %iota3A, %lt3A_483 : vector<32x8x1xi32>
      %slice3A = vector.extract_strided_slice %roll3A {offsets = [0, 0, 0], sizes = [32, 8, 768], strides = [1, 1, 1]} : vector<33x8x768xf32> to vector<32x8x768xf32>
      %slice3A_485 = vector.extract_strided_slice %roll3A {offsets = [1, 0, 0], sizes = [32, 8, 768], strides = [1, 1, 1]} : vector<33x8x768xf32> to vector<32x8x768xf32>
      %broadcast_in_dim3A = vector.shape_cast %lt3A_484 : vector<32x8x1xi1> to vector<32x8x1xi1>
      %broadcast_in_dim3A_486 = vector.broadcast %broadcast_in_dim3A : vector<32x8x1xi1> to vector<32x8x768xi1>
      %select_n3A_487 = arith.select %broadcast_in_dim3A_486, %slice3A, %slice3A_485 : vector<32x8x768xi1>, vector<32x8x768xf32>
      %iota3A_488 = tpu.iota {dimensions = array<i32: 0>} : vector<32x8x1xi32>
      %mul3A_489 = arith.constant 8 : i32
      %mul3A_490 = vector.broadcast %mul3A_489 : i32 to vector<32x8x1xi32>
      %mul3A_491 = arith.muli %iota3A_488, %mul3A_490 : vector<32x8x1xi32>
      %add3A_492 = arith.addi %mul3A_491, %iota3A : vector<32x8x1xi32>
      %sub3A_493 = arith.constant 768 : i32
      %sub3A_494 = arith.subi %sub3A, %sub3A_493 : i32
      %lt3A_495 = vector.broadcast %sub3A_494 : i32 to vector<32x8x1xi32>
      %lt3A_496 = arith.cmpi slt, %add3A_492, %lt3A_495 : vector<32x8x1xi32>
      %jit3A_497 = arith.constant 0.000000e+00 : f32
      %broadcast_in_dim3A_498 = vector.shape_cast %lt3A_496 : vector<32x8x1xi1> to vector<32x8x1xi1>
      %broadcast_in_dim3A_499 = vector.broadcast %broadcast_in_dim3A_498 : vector<32x8x1xi1> to vector<32x8x768xi1>
      %broadcast_in_dim3A_500 = vector.broadcast %jit3A_497 : f32 to vector<32x8x768xf32>
      %select_n3A_501 = arith.select %broadcast_in_dim3A_499, %select_n3A_487, %broadcast_in_dim3A_500 : vector<32x8x768xi1>, vector<32x8x768xf32>
      %reshape3A_502 = vector.shape_cast %select_n3A_501 : vector<32x8x768xf32> to vector<256x768xf32>
      %swap3A = arith.constant 0 : index
      %swap3A_503 = arith.constant 768 : index
      %swap3A_504 = arith.constant 0 : index
      %swap3A_505 = vector.load %arg3[%swap3A, %swap3A_503, %swap3A_504] : memref<1x2048x768xf32, #tpu.memory_space<vmem>>, vector<1x256x768xf32>
      %swap3A_506 = vector.shape_cast %swap3A_505 : vector<1x256x768xf32> to vector<256x768xf32>
      %swap3A_507 = vector.shape_cast %reshape3A_502 : vector<256x768xf32> to vector<1x256x768xf32>
      tpu.vector_store %arg3[%swap3A, %swap3A_503, %swap3A_504], %swap3A_507 {strides = array<i32>} : memref<1x2048x768xf32, #tpu.memory_space<vmem>>, vector<1x256x768xf32>,
    } else {
    }
    %gt3A_225 = arith.constant 768 : i32
    %gt3A_226 = arith.cmpi sgt, %sub3A, %gt3A_225 : i32
    %and3A_227 = arith.andi %gt3A_226, %gt3A_200 : i1
    %convert_element_type3A_228 = arith.extui %and3A_227 : i1 to i32
    %cond3A_229 = arith.constant 0 : i32
    %cond3A_230 = arith.cmpi ne, %convert_element_type3A_228, %cond3A_229 : i32
    scf.if %cond3A_230 {
      %min3A = arith.constant 1784 : i32
      %min3A_471 = arith.minsi %mul3A_198, %min3A : i32
      %multiple_of3A = tpu.assume_multiple %min3A_471, 8 : i32
      %add3A_472 = arith.constant 768 : i32
      %add3A_473 = arith.addi %get3A_1, %add3A_472 : i32
      %sub3A_474 = arith.subi %add3A_473, %multiple_of3A : i32
      %get3A_475 = arith.constant 0 : index
      %get3A_476 = arith.index_cast %multiple_of3A : i32 to index
      %get3A_477 = arith.constant 0 : index
      %get3A_478 = vector.load %arg2[%get3A_475, %get3A_476, %get3A_477] : memref<1x2048x768xf32, #tpu.memory_space<vmem>>, vector<1x264x768xf32>
      %get3A_479 = vector.shape_cast %get3A_478 : vector<1x264x768xf32> to vector<264x768xf32>
      %sub3A_480 = arith.constant 264 : i32
      %sub3A_481 = arith.subi %sub3A_480, %sub3A_474 : i32
      %rem3A_482 = arith.constant 264 : i32
      %rem3A_483 = arith.remsi %sub3A_481, %rem3A_482 : i32
      %roll3A = tpu.dynamic_rotate %get3A_479 by %rem3A_483 dim 0 : vector<264x768xf32>, i32 -> vector<264x768xf32>
      %iota3A = tpu.iota {dimensions = array<i32: 0>} : vector<256x1xi32>
      %sub3A_484 = arith.constant 768 : i32
      %sub3A_485 = arith.subi %sub3A, %sub3A_484 : i32
      %lt3A_486 = vector.broadcast %sub3A_485 : i32 to vector<256x1xi32>
      %lt3A_487 = arith.cmpi slt, %iota3A, %lt3A_486 : vector<256x1xi32>
      %slice3A = vector.extract_strided_slice %roll3A {offsets = [0, 0], sizes = [256, 768], strides = [1, 1]} : vector<264x768xf32> to vector<256x768xf32>
      %jit3A_488 = arith.constant 0.000000e+00 : f32
      %broadcast_in_dim3A = vector.shape_cast %lt3A_487 : vector<256x1xi1> to vector<256x1xi1>
      %broadcast_in_dim3A_489 = vector.broadcast %broadcast_in_dim3A : vector<256x1xi1> to vector<256x768xi1>
      %broadcast_in_dim3A_490 = vector.broadcast %jit3A_488 : f32 to vector<256x768xf32>
      %select_n3A_491 = arith.select %broadcast_in_dim3A_489, %slice3A, %broadcast_in_dim3A_490 : vector<256x768xi1>, vector<256x768xf32>
      %swap3A = arith.constant 0 : index
      %swap3A_492 = arith.constant 768 : index
      %swap3A_493 = arith.constant 0 : index
      %swap3A_494 = vector.load %arg3[%swap3A, %swap3A_492, %swap3A_493] : memref<1x2048x768xf32, #tpu.memory_space<vmem>>, vector<1x256x768xf32>
      %swap3A_495 = vector.shape_cast %swap3A_494 : vector<1x256x768xf32> to vector<256x768xf32>
      %swap3A_496 = vector.shape_cast %select_n3A_491 : vector<256x768xf32> to vector<1x256x768xf32>
      tpu.vector_store %arg3[%swap3A, %swap3A_492, %swap3A_493], %swap3A_496 {strides = array<i32>} : memref<1x2048x768xf32, #tpu.memory_space<vmem>>, vector<1x256x768xf32>,
    } else {
    }
    %add3A_231 = arith.constant 1024 : i32
    %add3A_232 = arith.addi %get3A_1, %add3A_231 : i32
    %jit3A_233 = arith.constant 8 : i32
    %div3A_234 = arith.divsi %add3A_232, %jit3A_233 : i32
    %sign3A_235 = arith.constant 0 : i32
    %sign3A_236 = arith.cmpi sgt, %add3A_232, %sign3A_235 : i32
    %sign3A_237 = arith.extui %sign3A_236 : i1 to i32
    %sign3A_238 = arith.constant 0 : i32
    %sign3A_239 = arith.cmpi slt, %add3A_232, %sign3A_238 : i32
    %sign3A_240 = arith.extui %sign3A_239 : i1 to i32
    %sign3A_241 = arith.subi %sign3A_237, %sign3A_240 : i32
    %sign3A_242 = arith.constant 0 : i32
    %sign3A_243 = arith.cmpi sgt, %jit3A_233, %sign3A_242 : i32
    %sign3A_244 = arith.extui %sign3A_243 : i1 to i32
    %sign3A_245 = arith.constant 0 : i32
    %sign3A_246 = arith.cmpi slt, %jit3A_233, %sign3A_245 : i32
    %sign3A_247 = arith.extui %sign3A_246 : i1 to i32
    %sign3A_248 = arith.subi %sign3A_244, %sign3A_247 : i32
    %ne3A_249 = arith.cmpi ne, %sign3A_241, %sign3A_248 : i32
    %rem3A_250 = arith.remsi %add3A_232, %jit3A_233 : i32
    %ne3A_251 = arith.constant 0 : i32
    %ne3A_252 = arith.cmpi ne, %rem3A_250, %ne3A_251 : i32
    %and3A_253 = arith.andi %ne3A_249, %ne3A_252 : i1
    %sub3A_254 = arith.constant 1 : i32
    %sub3A_255 = arith.subi %div3A_234, %sub3A_254 : i32
    %select_n3A_256 = arith.select %and3A_253, %sub3A_255, %div3A_234 : i32
    %mul3A_257 = arith.constant 8 : i32
    %mul3A_258 = arith.muli %select_n3A_256, %mul3A_257 : i32
    %gt3A_259 = arith.constant 1784 : i32
    %gt3A_260 = arith.cmpi sgt, %mul3A_258, %gt3A_259 : i32
    %le3A_261 = arith.constant 1024 : i32
    %le3A_262 = arith.cmpi sle, %sub3A, %le3A_261 : i32
    %convert_element_type3A_263 = arith.extui %le3A_262 : i1 to i32
    %cond3A_264 = arith.constant 0 : i32
    %cond3A_265 = arith.cmpi ne, %convert_element_type3A_263, %cond3A_264 : i32
    scf.if %cond3A_265 {
      %broadcast_in_dim3A = arith.constant 0.000000e+00 : f32
      %broadcast_in_dim3A_471 = vector.broadcast %broadcast_in_dim3A : f32 to vector<256x768xf32>
      %swap3A = arith.constant 0 : index
      %swap3A_472 = arith.constant 1024 : index
      %swap3A_473 = arith.constant 0 : index
      %swap3A_474 = vector.load %arg3[%swap3A, %swap3A_472, %swap3A_473] : memref<1x2048x768xf32, #tpu.memory_space<vmem>>, vector<1x256x768xf32>
      %swap3A_475 = vector.shape_cast %swap3A_474 : vector<1x256x768xf32> to vector<256x768xf32>
      %swap3A_476 = vector.shape_cast %broadcast_in_dim3A_471 : vector<256x768xf32> to vector<1x256x768xf32>
      tpu.vector_store %arg3[%swap3A, %swap3A_472, %swap3A_473], %swap3A_476 {strides = array<i32>} : memref<1x2048x768xf32, #tpu.memory_space<vmem>>, vector<1x256x768xf32>,
    } else {
    }
    %ge3A_266 = arith.constant 1280 : i32
    %ge3A_267 = arith.cmpi sge, %sub3A, %ge3A_266 : i32
    %gt3A_268 = arith.constant 1024 : i32
    %gt3A_269 = arith.cmpi sgt, %sub3A, %gt3A_268 : i32
    %lt3A_270 = arith.constant 1280 : i32
    %lt3A_271 = arith.cmpi slt, %sub3A, %lt3A_270 : i32
    %and3A_272 = arith.andi %gt3A_269, %lt3A_271 : i1
    %not3A_273 = arith.constant true
    %not3A_274 = arith.xori %gt3A_260, %not3A_273 : i1
    %and3A_275 = arith.andi %ge3A_267, %not3A_274 : i1
    %convert_element_type3A_276 = arith.extui %and3A_275 : i1 to i32
    %cond3A_277 = arith.constant 0 : i32
    %cond3A_278 = arith.cmpi ne, %convert_element_type3A_276, %cond3A_277 : i32
    scf.if %cond3A_278 {
      %min3A = arith.constant 1784 : i32
      %min3A_471 = arith.minsi %mul3A_258, %min3A : i32
      %multiple_of3A = tpu.assume_multiple %min3A_471, 8 : i32
      %get3A_472 = arith.constant 0 : index
      %get3A_473 = arith.index_cast %multiple_of3A : i32 to index
      %get3A_474 = arith.constant 0 : index
      %get3A_475 = vector.load %arg2[%get3A_472, %get3A_473, %get3A_474] : memref<1x2048x768xf32, #tpu.memory_space<vmem>>, vector<1x264x768xf32>
      %get3A_476 = vector.shape_cast %get3A_475 : vector<1x264x768xf32> to vector<264x768xf32>
      %reshape3A = vector.shape_cast %get3A_476 : vector<264x768xf32> to vector<33x8x768xf32>
      %sub3A_477 = arith.constant 8 : i32
      %sub3A_478 = arith.subi %sub3A_477, %rem3A_5 : i32
      %rem3A_479 = arith.constant 8 : i32
      %rem3A_480 = arith.remsi %sub3A_478, %rem3A_479 : i32
      %roll3A = tpu.dynamic_rotate %reshape3A by %rem3A_480 dim 1 : vector<33x8x768xf32>, i32 -> vector<33x8x768xf32>
      %iota3A = tpu.iota {dimensions = array<i32: 1>} : vector<32x8x1xi32>
      %sub3A_481 = arith.constant 8 : i32
      %sub3A_482 = arith.subi %sub3A_481, %rem3A_5 : i32
      %lt3A_483 = vector.broadcast %sub3A_482 : i32 to vector<32x8x1xi32>
      %lt3A_484 = arith.cmpi slt, %iota3A, %lt3A_483 : vector<32x8x1xi32>
      %slice3A = vector.extract_strided_slice %roll3A {offsets = [0, 0, 0], sizes = [32, 8, 768], strides = [1, 1, 1]} : vector<33x8x768xf32> to vector<32x8x768xf32>
      %slice3A_485 = vector.extract_strided_slice %roll3A {offsets = [1, 0, 0], sizes = [32, 8, 768], strides = [1, 1, 1]} : vector<33x8x768xf32> to vector<32x8x768xf32>
      %broadcast_in_dim3A = vector.shape_cast %lt3A_484 : vector<32x8x1xi1> to vector<32x8x1xi1>
      %broadcast_in_dim3A_486 = vector.broadcast %broadcast_in_dim3A : vector<32x8x1xi1> to vector<32x8x768xi1>
      %select_n3A_487 = arith.select %broadcast_in_dim3A_486, %slice3A, %slice3A_485 : vector<32x8x768xi1>, vector<32x8x768xf32>
      %reshape3A_488 = vector.shape_cast %select_n3A_487 : vector<32x8x768xf32> to vector<256x768xf32>
      %swap3A = arith.constant 0 : index
      %swap3A_489 = arith.constant 1024 : index
      %swap3A_490 = arith.constant 0 : index
      %swap3A_491 = vector.load %arg3[%swap3A, %swap3A_489, %swap3A_490] : memref<1x2048x768xf32, #tpu.memory_space<vmem>>, vector<1x256x768xf32>
      %swap3A_492 = vector.shape_cast %swap3A_491 : vector<1x256x768xf32> to vector<256x768xf32>
      %swap3A_493 = vector.shape_cast %reshape3A_488 : vector<256x768xf32> to vector<1x256x768xf32>
      tpu.vector_store %arg3[%swap3A, %swap3A_489, %swap3A_490], %swap3A_493 {strides = array<i32>} : memref<1x2048x768xf32, #tpu.memory_space<vmem>>, vector<1x256x768xf32>,
    } else {
    }
    %not3A_279 = arith.constant true
    %not3A_280 = arith.xori %gt3A_260, %not3A_279 : i1
    %and3A_281 = arith.andi %and3A_272, %not3A_280 : i1
    %convert_element_type3A_282 = arith.extui %and3A_281 : i1 to i32
    %cond3A_283 = arith.constant 0 : i32
    %cond3A_284 = arith.cmpi ne, %convert_element_type3A_282, %cond3A_283 : i32
    scf.if %cond3A_284 {
      %min3A = arith.constant 1784 : i32
      %min3A_471 = arith.minsi %mul3A_258, %min3A : i32
      %multiple_of3A = tpu.assume_multiple %min3A_471, 8 : i32
      %get3A_472 = arith.constant 0 : index
      %get3A_473 = arith.index_cast %multiple_of3A : i32 to index
      %get3A_474 = arith.constant 0 : index
      %get3A_475 = vector.load %arg2[%get3A_472, %get3A_473, %get3A_474] : memref<1x2048x768xf32, #tpu.memory_space<vmem>>, vector<1x264x768xf32>
      %get3A_476 = vector.shape_cast %get3A_475 : vector<1x264x768xf32> to vector<264x768xf32>
      %reshape3A = vector.shape_cast %get3A_476 : vector<264x768xf32> to vector<33x8x768xf32>
      %sub3A_477 = arith.constant 8 : i32
      %sub3A_478 = arith.subi %sub3A_477, %rem3A_5 : i32
      %rem3A_479 = arith.constant 8 : i32
      %rem3A_480 = arith.remsi %sub3A_478, %rem3A_479 : i32
      %roll3A = tpu.dynamic_rotate %reshape3A by %rem3A_480 dim 1 : vector<33x8x768xf32>, i32 -> vector<33x8x768xf32>
      %iota3A = tpu.iota {dimensions = array<i32: 1>} : vector<32x8x1xi32>
      %sub3A_481 = arith.constant 8 : i32
      %sub3A_482 = arith.subi %sub3A_481, %rem3A_5 : i32
      %lt3A_483 = vector.broadcast %sub3A_482 : i32 to vector<32x8x1xi32>
      %lt3A_484 = arith.cmpi slt, %iota3A, %lt3A_483 : vector<32x8x1xi32>
      %slice3A = vector.extract_strided_slice %roll3A {offsets = [0, 0, 0], sizes = [32, 8, 768], strides = [1, 1, 1]} : vector<33x8x768xf32> to vector<32x8x768xf32>
      %slice3A_485 = vector.extract_strided_slice %roll3A {offsets = [1, 0, 0], sizes = [32, 8, 768], strides = [1, 1, 1]} : vector<33x8x768xf32> to vector<32x8x768xf32>
      %broadcast_in_dim3A = vector.shape_cast %lt3A_484 : vector<32x8x1xi1> to vector<32x8x1xi1>
      %broadcast_in_dim3A_486 = vector.broadcast %broadcast_in_dim3A : vector<32x8x1xi1> to vector<32x8x768xi1>
      %select_n3A_487 = arith.select %broadcast_in_dim3A_486, %slice3A, %slice3A_485 : vector<32x8x768xi1>, vector<32x8x768xf32>
      %iota3A_488 = tpu.iota {dimensions = array<i32: 0>} : vector<32x8x1xi32>
      %mul3A_489 = arith.constant 8 : i32
      %mul3A_490 = vector.broadcast %mul3A_489 : i32 to vector<32x8x1xi32>
      %mul3A_491 = arith.muli %iota3A_488, %mul3A_490 : vector<32x8x1xi32>
      %add3A_492 = arith.addi %mul3A_491, %iota3A : vector<32x8x1xi32>
      %sub3A_493 = arith.constant 1024 : i32
      %sub3A_494 = arith.subi %sub3A, %sub3A_493 : i32
      %lt3A_495 = vector.broadcast %sub3A_494 : i32 to vector<32x8x1xi32>
      %lt3A_496 = arith.cmpi slt, %add3A_492, %lt3A_495 : vector<32x8x1xi32>
      %jit3A_497 = arith.constant 0.000000e+00 : f32
      %broadcast_in_dim3A_498 = vector.shape_cast %lt3A_496 : vector<32x8x1xi1> to vector<32x8x1xi1>
      %broadcast_in_dim3A_499 = vector.broadcast %broadcast_in_dim3A_498 : vector<32x8x1xi1> to vector<32x8x768xi1>
      %broadcast_in_dim3A_500 = vector.broadcast %jit3A_497 : f32 to vector<32x8x768xf32>
      %select_n3A_501 = arith.select %broadcast_in_dim3A_499, %select_n3A_487, %broadcast_in_dim3A_500 : vector<32x8x768xi1>, vector<32x8x768xf32>
      %reshape3A_502 = vector.shape_cast %select_n3A_501 : vector<32x8x768xf32> to vector<256x768xf32>
      %swap3A = arith.constant 0 : index
      %swap3A_503 = arith.constant 1024 : index
      %swap3A_504 = arith.constant 0 : index
      %swap3A_505 = vector.load %arg3[%swap3A, %swap3A_503, %swap3A_504] : memref<1x2048x768xf32, #tpu.memory_space<vmem>>, vector<1x256x768xf32>
      %swap3A_506 = vector.shape_cast %swap3A_505 : vector<1x256x768xf32> to vector<256x768xf32>
      %swap3A_507 = vector.shape_cast %reshape3A_502 : vector<256x768xf32> to vector<1x256x768xf32>
      tpu.vector_store %arg3[%swap3A, %swap3A_503, %swap3A_504], %swap3A_507 {strides = array<i32>} : memref<1x2048x768xf32, #tpu.memory_space<vmem>>, vector<1x256x768xf32>,
    } else {
    }
    %gt3A_285 = arith.constant 1024 : i32
    %gt3A_286 = arith.cmpi sgt, %sub3A, %gt3A_285 : i32
    %and3A_287 = arith.andi %gt3A_286, %gt3A_260 : i1
    %convert_element_type3A_288 = arith.extui %and3A_287 : i1 to i32
    %cond3A_289 = arith.constant 0 : i32
    %cond3A_290 = arith.cmpi ne, %convert_element_type3A_288, %cond3A_289 : i32
    scf.if %cond3A_290 {
      %min3A = arith.constant 1784 : i32
      %min3A_471 = arith.minsi %mul3A_258, %min3A : i32
      %multiple_of3A = tpu.assume_multiple %min3A_471, 8 : i32
      %add3A_472 = arith.constant 1024 : i32
      %add3A_473 = arith.addi %get3A_1, %add3A_472 : i32
      %sub3A_474 = arith.subi %add3A_473, %multiple_of3A : i32
      %get3A_475 = arith.constant 0 : index
      %get3A_476 = arith.index_cast %multiple_of3A : i32 to index
      %get3A_477 = arith.constant 0 : index
      %get3A_478 = vector.load %arg2[%get3A_475, %get3A_476, %get3A_477] : memref<1x2048x768xf32, #tpu.memory_space<vmem>>, vector<1x264x768xf32>
      %get3A_479 = vector.shape_cast %get3A_478 : vector<1x264x768xf32> to vector<264x768xf32>
      %sub3A_480 = arith.constant 264 : i32
      %sub3A_481 = arith.subi %sub3A_480, %sub3A_474 : i32
      %rem3A_482 = arith.constant 264 : i32
      %rem3A_483 = arith.remsi %sub3A_481, %rem3A_482 : i32
      %roll3A = tpu.dynamic_rotate %get3A_479 by %rem3A_483 dim 0 : vector<264x768xf32>, i32 -> vector<264x768xf32>
      %iota3A = tpu.iota {dimensions = array<i32: 0>} : vector<256x1xi32>
      %sub3A_484 = arith.constant 1024 : i32
      %sub3A_485 = arith.subi %sub3A, %sub3A_484 : i32
      %lt3A_486 = vector.broadcast %sub3A_485 : i32 to vector<256x1xi32>
      %lt3A_487 = arith.cmpi slt, %iota3A, %lt3A_486 : vector<256x1xi32>
      %slice3A = vector.extract_strided_slice %roll3A {offsets = [0, 0], sizes = [256, 768], strides = [1, 1]} : vector<264x768xf32> to vector<256x768xf32>
      %jit3A_488 = arith.constant 0.000000e+00 : f32
      %broadcast_in_dim3A = vector.shape_cast %lt3A_487 : vector<256x1xi1> to vector<256x1xi1>
      %broadcast_in_dim3A_489 = vector.broadcast %broadcast_in_dim3A : vector<256x1xi1> to vector<256x768xi1>
      %broadcast_in_dim3A_490 = vector.broadcast %jit3A_488 : f32 to vector<256x768xf32>
      %select_n3A_491 = arith.select %broadcast_in_dim3A_489, %slice3A, %broadcast_in_dim3A_490 : vector<256x768xi1>, vector<256x768xf32>
      %swap3A = arith.constant 0 : index
      %swap3A_492 = arith.constant 1024 : index
      %swap3A_493 = arith.constant 0 : index
      %swap3A_494 = vector.load %arg3[%swap3A, %swap3A_492, %swap3A_493] : memref<1x2048x768xf32, #tpu.memory_space<vmem>>, vector<1x256x768xf32>
      %swap3A_495 = vector.shape_cast %swap3A_494 : vector<1x256x768xf32> to vector<256x768xf32>
      %swap3A_496 = vector.shape_cast %select_n3A_491 : vector<256x768xf32> to vector<1x256x768xf32>
      tpu.vector_store %arg3[%swap3A, %swap3A_492, %swap3A_493], %swap3A_496 {strides = array<i32>} : memref<1x2048x768xf32, #tpu.memory_space<vmem>>, vector<1x256x768xf32>,
    } else {
    }
    %add3A_291 = arith.constant 1280 : i32
    %add3A_292 = arith.addi %get3A_1, %add3A_291 : i32
    %jit3A_293 = arith.constant 8 : i32
    %div3A_294 = arith.divsi %add3A_292, %jit3A_293 : i32
    %sign3A_295 = arith.constant 0 : i32
    %sign3A_296 = arith.cmpi sgt, %add3A_292, %sign3A_295 : i32
    %sign3A_297 = arith.extui %sign3A_296 : i1 to i32
    %sign3A_298 = arith.constant 0 : i32
    %sign3A_299 = arith.cmpi slt, %add3A_292, %sign3A_298 : i32
    %sign3A_300 = arith.extui %sign3A_299 : i1 to i32
    %sign3A_301 = arith.subi %sign3A_297, %sign3A_300 : i32
    %sign3A_302 = arith.constant 0 : i32
    %sign3A_303 = arith.cmpi sgt, %jit3A_293, %sign3A_302 : i32
    %sign3A_304 = arith.extui %sign3A_303 : i1 to i32
    %sign3A_305 = arith.constant 0 : i32
    %sign3A_306 = arith.cmpi slt, %jit3A_293, %sign3A_305 : i32
    %sign3A_307 = arith.extui %sign3A_306 : i1 to i32
    %sign3A_308 = arith.subi %sign3A_304, %sign3A_307 : i32
    %ne3A_309 = arith.cmpi ne, %sign3A_301, %sign3A_308 : i32
    %rem3A_310 = arith.remsi %add3A_292, %jit3A_293 : i32
    %ne3A_311 = arith.constant 0 : i32
    %ne3A_312 = arith.cmpi ne, %rem3A_310, %ne3A_311 : i32
    %and3A_313 = arith.andi %ne3A_309, %ne3A_312 : i1
    %sub3A_314 = arith.constant 1 : i32
    %sub3A_315 = arith.subi %div3A_294, %sub3A_314 : i32
    %select_n3A_316 = arith.select %and3A_313, %sub3A_315, %div3A_294 : i32
    %mul3A_317 = arith.constant 8 : i32
    %mul3A_318 = arith.muli %select_n3A_316, %mul3A_317 : i32
    %gt3A_319 = arith.constant 1784 : i32
    %gt3A_320 = arith.cmpi sgt, %mul3A_318, %gt3A_319 : i32
    %le3A_321 = arith.constant 1280 : i32
    %le3A_322 = arith.cmpi sle, %sub3A, %le3A_321 : i32
    %convert_element_type3A_323 = arith.extui %le3A_322 : i1 to i32
    %cond3A_324 = arith.constant 0 : i32
    %cond3A_325 = arith.cmpi ne, %convert_element_type3A_323, %cond3A_324 : i32
    scf.if %cond3A_325 {
      %broadcast_in_dim3A = arith.constant 0.000000e+00 : f32
      %broadcast_in_dim3A_471 = vector.broadcast %broadcast_in_dim3A : f32 to vector<256x768xf32>
      %swap3A = arith.constant 0 : index
      %swap3A_472 = arith.constant 1280 : index
      %swap3A_473 = arith.constant 0 : index
      %swap3A_474 = vector.load %arg3[%swap3A, %swap3A_472, %swap3A_473] : memref<1x2048x768xf32, #tpu.memory_space<vmem>>, vector<1x256x768xf32>
      %swap3A_475 = vector.shape_cast %swap3A_474 : vector<1x256x768xf32> to vector<256x768xf32>
      %swap3A_476 = vector.shape_cast %broadcast_in_dim3A_471 : vector<256x768xf32> to vector<1x256x768xf32>
      tpu.vector_store %arg3[%swap3A, %swap3A_472, %swap3A_473], %swap3A_476 {strides = array<i32>} : memref<1x2048x768xf32, #tpu.memory_space<vmem>>, vector<1x256x768xf32>,
    } else {
    }
    %ge3A_326 = arith.constant 1536 : i32
    %ge3A_327 = arith.cmpi sge, %sub3A, %ge3A_326 : i32
    %gt3A_328 = arith.constant 1280 : i32
    %gt3A_329 = arith.cmpi sgt, %sub3A, %gt3A_328 : i32
    %lt3A_330 = arith.constant 1536 : i32
    %lt3A_331 = arith.cmpi slt, %sub3A, %lt3A_330 : i32
    %and3A_332 = arith.andi %gt3A_329, %lt3A_331 : i1
    %not3A_333 = arith.constant true
    %not3A_334 = arith.xori %gt3A_320, %not3A_333 : i1
    %and3A_335 = arith.andi %ge3A_327, %not3A_334 : i1
    %convert_element_type3A_336 = arith.extui %and3A_335 : i1 to i32
    %cond3A_337 = arith.constant 0 : i32
    %cond3A_338 = arith.cmpi ne, %convert_element_type3A_336, %cond3A_337 : i32
    scf.if %cond3A_338 {
      %min3A = arith.constant 1784 : i32
      %min3A_471 = arith.minsi %mul3A_318, %min3A : i32
      %multiple_of3A = tpu.assume_multiple %min3A_471, 8 : i32
      %get3A_472 = arith.constant 0 : index
      %get3A_473 = arith.index_cast %multiple_of3A : i32 to index
      %get3A_474 = arith.constant 0 : index
      %get3A_475 = vector.load %arg2[%get3A_472, %get3A_473, %get3A_474] : memref<1x2048x768xf32, #tpu.memory_space<vmem>>, vector<1x264x768xf32>
      %get3A_476 = vector.shape_cast %get3A_475 : vector<1x264x768xf32> to vector<264x768xf32>
      %reshape3A = vector.shape_cast %get3A_476 : vector<264x768xf32> to vector<33x8x768xf32>
      %sub3A_477 = arith.constant 8 : i32
      %sub3A_478 = arith.subi %sub3A_477, %rem3A_5 : i32
      %rem3A_479 = arith.constant 8 : i32
      %rem3A_480 = arith.remsi %sub3A_478, %rem3A_479 : i32
      %roll3A = tpu.dynamic_rotate %reshape3A by %rem3A_480 dim 1 : vector<33x8x768xf32>, i32 -> vector<33x8x768xf32>
      %iota3A = tpu.iota {dimensions = array<i32: 1>} : vector<32x8x1xi32>
      %sub3A_481 = arith.constant 8 : i32
      %sub3A_482 = arith.subi %sub3A_481, %rem3A_5 : i32
      %lt3A_483 = vector.broadcast %sub3A_482 : i32 to vector<32x8x1xi32>
      %lt3A_484 = arith.cmpi slt, %iota3A, %lt3A_483 : vector<32x8x1xi32>
      %slice3A = vector.extract_strided_slice %roll3A {offsets = [0, 0, 0], sizes = [32, 8, 768], strides = [1, 1, 1]} : vector<33x8x768xf32> to vector<32x8x768xf32>
      %slice3A_485 = vector.extract_strided_slice %roll3A {offsets = [1, 0, 0], sizes = [32, 8, 768], strides = [1, 1, 1]} : vector<33x8x768xf32> to vector<32x8x768xf32>
      %broadcast_in_dim3A = vector.shape_cast %lt3A_484 : vector<32x8x1xi1> to vector<32x8x1xi1>
      %broadcast_in_dim3A_486 = vector.broadcast %broadcast_in_dim3A : vector<32x8x1xi1> to vector<32x8x768xi1>
      %select_n3A_487 = arith.select %broadcast_in_dim3A_486, %slice3A, %slice3A_485 : vector<32x8x768xi1>, vector<32x8x768xf32>
      %reshape3A_488 = vector.shape_cast %select_n3A_487 : vector<32x8x768xf32> to vector<256x768xf32>
      %swap3A = arith.constant 0 : index
      %swap3A_489 = arith.constant 1280 : index
      %swap3A_490 = arith.constant 0 : index
      %swap3A_491 = vector.load %arg3[%swap3A, %swap3A_489, %swap3A_490] : memref<1x2048x768xf32, #tpu.memory_space<vmem>>, vector<1x256x768xf32>
      %swap3A_492 = vector.shape_cast %swap3A_491 : vector<1x256x768xf32> to vector<256x768xf32>
      %swap3A_493 = vector.shape_cast %reshape3A_488 : vector<256x768xf32> to vector<1x256x768xf32>
      tpu.vector_store %arg3[%swap3A, %swap3A_489, %swap3A_490], %swap3A_493 {strides = array<i32>} : memref<1x2048x768xf32, #tpu.memory_space<vmem>>, vector<1x256x768xf32>,
    } else {
    }
    %not3A_339 = arith.constant true
    %not3A_340 = arith.xori %gt3A_320, %not3A_339 : i1
    %and3A_341 = arith.andi %and3A_332, %not3A_340 : i1
    %convert_element_type3A_342 = arith.extui %and3A_341 : i1 to i32
    %cond3A_343 = arith.constant 0 : i32
    %cond3A_344 = arith.cmpi ne, %convert_element_type3A_342, %cond3A_343 : i32
    scf.if %cond3A_344 {
      %min3A = arith.constant 1784 : i32
      %min3A_471 = arith.minsi %mul3A_318, %min3A : i32
      %multiple_of3A = tpu.assume_multiple %min3A_471, 8 : i32
      %get3A_472 = arith.constant 0 : index
      %get3A_473 = arith.index_cast %multiple_of3A : i32 to index
      %get3A_474 = arith.constant 0 : index
      %get3A_475 = vector.load %arg2[%get3A_472, %get3A_473, %get3A_474] : memref<1x2048x768xf32, #tpu.memory_space<vmem>>, vector<1x264x768xf32>
      %get3A_476 = vector.shape_cast %get3A_475 : vector<1x264x768xf32> to vector<264x768xf32>
      %reshape3A = vector.shape_cast %get3A_476 : vector<264x768xf32> to vector<33x8x768xf32>
      %sub3A_477 = arith.constant 8 : i32
      %sub3A_478 = arith.subi %sub3A_477, %rem3A_5 : i32
      %rem3A_479 = arith.constant 8 : i32
      %rem3A_480 = arith.remsi %sub3A_478, %rem3A_479 : i32
      %roll3A = tpu.dynamic_rotate %reshape3A by %rem3A_480 dim 1 : vector<33x8x768xf32>, i32 -> vector<33x8x768xf32>
      %iota3A = tpu.iota {dimensions = array<i32: 1>} : vector<32x8x1xi32>
      %sub3A_481 = arith.constant 8 : i32
      %sub3A_482 = arith.subi %sub3A_481, %rem3A_5 : i32
      %lt3A_483 = vector.broadcast %sub3A_482 : i32 to vector<32x8x1xi32>
      %lt3A_484 = arith.cmpi slt, %iota3A, %lt3A_483 : vector<32x8x1xi32>
      %slice3A = vector.extract_strided_slice %roll3A {offsets = [0, 0, 0], sizes = [32, 8, 768], strides = [1, 1, 1]} : vector<33x8x768xf32> to vector<32x8x768xf32>
      %slice3A_485 = vector.extract_strided_slice %roll3A {offsets = [1, 0, 0], sizes = [32, 8, 768], strides = [1, 1, 1]} : vector<33x8x768xf32> to vector<32x8x768xf32>
      %broadcast_in_dim3A = vector.shape_cast %lt3A_484 : vector<32x8x1xi1> to vector<32x8x1xi1>
      %broadcast_in_dim3A_486 = vector.broadcast %broadcast_in_dim3A : vector<32x8x1xi1> to vector<32x8x768xi1>
      %select_n3A_487 = arith.select %broadcast_in_dim3A_486, %slice3A, %slice3A_485 : vector<32x8x768xi1>, vector<32x8x768xf32>
      %iota3A_488 = tpu.iota {dimensions = array<i32: 0>} : vector<32x8x1xi32>
      %mul3A_489 = arith.constant 8 : i32
      %mul3A_490 = vector.broadcast %mul3A_489 : i32 to vector<32x8x1xi32>
      %mul3A_491 = arith.muli %iota3A_488, %mul3A_490 : vector<32x8x1xi32>
      %add3A_492 = arith.addi %mul3A_491, %iota3A : vector<32x8x1xi32>
      %sub3A_493 = arith.constant 1280 : i32
      %sub3A_494 = arith.subi %sub3A, %sub3A_493 : i32
      %lt3A_495 = vector.broadcast %sub3A_494 : i32 to vector<32x8x1xi32>
      %lt3A_496 = arith.cmpi slt, %add3A_492, %lt3A_495 : vector<32x8x1xi32>
      %jit3A_497 = arith.constant 0.000000e+00 : f32
      %broadcast_in_dim3A_498 = vector.shape_cast %lt3A_496 : vector<32x8x1xi1> to vector<32x8x1xi1>
      %broadcast_in_dim3A_499 = vector.broadcast %broadcast_in_dim3A_498 : vector<32x8x1xi1> to vector<32x8x768xi1>
      %broadcast_in_dim3A_500 = vector.broadcast %jit3A_497 : f32 to vector<32x8x768xf32>
      %select_n3A_501 = arith.select %broadcast_in_dim3A_499, %select_n3A_487, %broadcast_in_dim3A_500 : vector<32x8x768xi1>, vector<32x8x768xf32>
      %reshape3A_502 = vector.shape_cast %select_n3A_501 : vector<32x8x768xf32> to vector<256x768xf32>
      %swap3A = arith.constant 0 : index
      %swap3A_503 = arith.constant 1280 : index
      %swap3A_504 = arith.constant 0 : index
      %swap3A_505 = vector.load %arg3[%swap3A, %swap3A_503, %swap3A_504] : memref<1x2048x768xf32, #tpu.memory_space<vmem>>, vector<1x256x768xf32>
      %swap3A_506 = vector.shape_cast %swap3A_505 : vector<1x256x768xf32> to vector<256x768xf32>
      %swap3A_507 = vector.shape_cast %reshape3A_502 : vector<256x768xf32> to vector<1x256x768xf32>
      tpu.vector_store %arg3[%swap3A, %swap3A_503, %swap3A_504], %swap3A_507 {strides = array<i32>} : memref<1x2048x768xf32, #tpu.memory_space<vmem>>, vector<1x256x768xf32>,
    } else {
    }
    %gt3A_345 = arith.constant 1280 : i32
    %gt3A_346 = arith.cmpi sgt, %sub3A, %gt3A_345 : i32
    %and3A_347 = arith.andi %gt3A_346, %gt3A_320 : i1
    %convert_element_type3A_348 = arith.extui %and3A_347 : i1 to i32
    %cond3A_349 = arith.constant 0 : i32
    %cond3A_350 = arith.cmpi ne, %convert_element_type3A_348, %cond3A_349 : i32
    scf.if %cond3A_350 {
      %min3A = arith.constant 1784 : i32
      %min3A_471 = arith.minsi %mul3A_318, %min3A : i32
      %multiple_of3A = tpu.assume_multiple %min3A_471, 8 : i32
      %add3A_472 = arith.constant 1280 : i32
      %add3A_473 = arith.addi %get3A_1, %add3A_472 : i32
      %sub3A_474 = arith.subi %add3A_473, %multiple_of3A : i32
      %get3A_475 = arith.constant 0 : index
      %get3A_476 = arith.index_cast %multiple_of3A : i32 to index
      %get3A_477 = arith.constant 0 : index
      %get3A_478 = vector.load %arg2[%get3A_475, %get3A_476, %get3A_477] : memref<1x2048x768xf32, #tpu.memory_space<vmem>>, vector<1x264x768xf32>
      %get3A_479 = vector.shape_cast %get3A_478 : vector<1x264x768xf32> to vector<264x768xf32>
      %sub3A_480 = arith.constant 264 : i32
      %sub3A_481 = arith.subi %sub3A_480, %sub3A_474 : i32
      %rem3A_482 = arith.constant 264 : i32
      %rem3A_483 = arith.remsi %sub3A_481, %rem3A_482 : i32
      %roll3A = tpu.dynamic_rotate %get3A_479 by %rem3A_483 dim 0 : vector<264x768xf32>, i32 -> vector<264x768xf32>
      %iota3A = tpu.iota {dimensions = array<i32: 0>} : vector<256x1xi32>
      %sub3A_484 = arith.constant 1280 : i32
      %sub3A_485 = arith.subi %sub3A, %sub3A_484 : i32
      %lt3A_486 = vector.broadcast %sub3A_485 : i32 to vector<256x1xi32>
      %lt3A_487 = arith.cmpi slt, %iota3A, %lt3A_486 : vector<256x1xi32>
      %slice3A = vector.extract_strided_slice %roll3A {offsets = [0, 0], sizes = [256, 768], strides = [1, 1]} : vector<264x768xf32> to vector<256x768xf32>
      %jit3A_488 = arith.constant 0.000000e+00 : f32
      %broadcast_in_dim3A = vector.shape_cast %lt3A_487 : vector<256x1xi1> to vector<256x1xi1>
      %broadcast_in_dim3A_489 = vector.broadcast %broadcast_in_dim3A : vector<256x1xi1> to vector<256x768xi1>
      %broadcast_in_dim3A_490 = vector.broadcast %jit3A_488 : f32 to vector<256x768xf32>
      %select_n3A_491 = arith.select %broadcast_in_dim3A_489, %slice3A, %broadcast_in_dim3A_490 : vector<256x768xi1>, vector<256x768xf32>
      %swap3A = arith.constant 0 : index
      %swap3A_492 = arith.constant 1280 : index
      %swap3A_493 = arith.constant 0 : index
      %swap3A_494 = vector.load %arg3[%swap3A, %swap3A_492, %swap3A_493] : memref<1x2048x768xf32, #tpu.memory_space<vmem>>, vector<1x256x768xf32>
      %swap3A_495 = vector.shape_cast %swap3A_494 : vector<1x256x768xf32> to vector<256x768xf32>
      %swap3A_496 = vector.shape_cast %select_n3A_491 : vector<256x768xf32> to vector<1x256x768xf32>
      tpu.vector_store %arg3[%swap3A, %swap3A_492, %swap3A_493], %swap3A_496 {strides = array<i32>} : memref<1x2048x768xf32, #tpu.memory_space<vmem>>, vector<1x256x768xf32>,
    } else {
    }
    %add3A_351 = arith.constant 1536 : i32
    %add3A_352 = arith.addi %get3A_1, %add3A_351 : i32
    %jit3A_353 = arith.constant 8 : i32
    %div3A_354 = arith.divsi %add3A_352, %jit3A_353 : i32
    %sign3A_355 = arith.constant 0 : i32
    %sign3A_356 = arith.cmpi sgt, %add3A_352, %sign3A_355 : i32
    %sign3A_357 = arith.extui %sign3A_356 : i1 to i32
    %sign3A_358 = arith.constant 0 : i32
    %sign3A_359 = arith.cmpi slt, %add3A_352, %sign3A_358 : i32
    %sign3A_360 = arith.extui %sign3A_359 : i1 to i32
    %sign3A_361 = arith.subi %sign3A_357, %sign3A_360 : i32
    %sign3A_362 = arith.constant 0 : i32
    %sign3A_363 = arith.cmpi sgt, %jit3A_353, %sign3A_362 : i32
    %sign3A_364 = arith.extui %sign3A_363 : i1 to i32
    %sign3A_365 = arith.constant 0 : i32
    %sign3A_366 = arith.cmpi slt, %jit3A_353, %sign3A_365 : i32
    %sign3A_367 = arith.extui %sign3A_366 : i1 to i32
    %sign3A_368 = arith.subi %sign3A_364, %sign3A_367 : i32
    %ne3A_369 = arith.cmpi ne, %sign3A_361, %sign3A_368 : i32
    %rem3A_370 = arith.remsi %add3A_352, %jit3A_353 : i32
    %ne3A_371 = arith.constant 0 : i32
    %ne3A_372 = arith.cmpi ne, %rem3A_370, %ne3A_371 : i32
    %and3A_373 = arith.andi %ne3A_369, %ne3A_372 : i1
    %sub3A_374 = arith.constant 1 : i32
    %sub3A_375 = arith.subi %div3A_354, %sub3A_374 : i32
    %select_n3A_376 = arith.select %and3A_373, %sub3A_375, %div3A_354 : i32
    %mul3A_377 = arith.constant 8 : i32
    %mul3A_378 = arith.muli %select_n3A_376, %mul3A_377 : i32
    %gt3A_379 = arith.constant 1784 : i32
    %gt3A_380 = arith.cmpi sgt, %mul3A_378, %gt3A_379 : i32
    %le3A_381 = arith.constant 1536 : i32
    %le3A_382 = arith.cmpi sle, %sub3A, %le3A_381 : i32
    %convert_element_type3A_383 = arith.extui %le3A_382 : i1 to i32
    %cond3A_384 = arith.constant 0 : i32
    %cond3A_385 = arith.cmpi ne, %convert_element_type3A_383, %cond3A_384 : i32
    scf.if %cond3A_385 {
      %broadcast_in_dim3A = arith.constant 0.000000e+00 : f32
      %broadcast_in_dim3A_471 = vector.broadcast %broadcast_in_dim3A : f32 to vector<256x768xf32>
      %swap3A = arith.constant 0 : index
      %swap3A_472 = arith.constant 1536 : index
      %swap3A_473 = arith.constant 0 : index
      %swap3A_474 = vector.load %arg3[%swap3A, %swap3A_472, %swap3A_473] : memref<1x2048x768xf32, #tpu.memory_space<vmem>>, vector<1x256x768xf32>
      %swap3A_475 = vector.shape_cast %swap3A_474 : vector<1x256x768xf32> to vector<256x768xf32>
      %swap3A_476 = vector.shape_cast %broadcast_in_dim3A_471 : vector<256x768xf32> to vector<1x256x768xf32>
      tpu.vector_store %arg3[%swap3A, %swap3A_472, %swap3A_473], %swap3A_476 {strides = array<i32>} : memref<1x2048x768xf32, #tpu.memory_space<vmem>>, vector<1x256x768xf32>,
    } else {
    }
    %ge3A_386 = arith.constant 1792 : i32
    %ge3A_387 = arith.cmpi sge, %sub3A, %ge3A_386 : i32
    %gt3A_388 = arith.constant 1536 : i32
    %gt3A_389 = arith.cmpi sgt, %sub3A, %gt3A_388 : i32
    %lt3A_390 = arith.constant 1792 : i32
    %lt3A_391 = arith.cmpi slt, %sub3A, %lt3A_390 : i32
    %and3A_392 = arith.andi %gt3A_389, %lt3A_391 : i1
    %not3A_393 = arith.constant true
    %not3A_394 = arith.xori %gt3A_380, %not3A_393 : i1
    %and3A_395 = arith.andi %ge3A_387, %not3A_394 : i1
    %convert_element_type3A_396 = arith.extui %and3A_395 : i1 to i32
    %cond3A_397 = arith.constant 0 : i32
    %cond3A_398 = arith.cmpi ne, %convert_element_type3A_396, %cond3A_397 : i32
    scf.if %cond3A_398 {
      %min3A = arith.constant 1784 : i32
      %min3A_471 = arith.minsi %mul3A_378, %min3A : i32
      %multiple_of3A = tpu.assume_multiple %min3A_471, 8 : i32
      %get3A_472 = arith.constant 0 : index
      %get3A_473 = arith.index_cast %multiple_of3A : i32 to index
      %get3A_474 = arith.constant 0 : index
      %get3A_475 = vector.load %arg2[%get3A_472, %get3A_473, %get3A_474] : memref<1x2048x768xf32, #tpu.memory_space<vmem>>, vector<1x264x768xf32>
      %get3A_476 = vector.shape_cast %get3A_475 : vector<1x264x768xf32> to vector<264x768xf32>
      %reshape3A = vector.shape_cast %get3A_476 : vector<264x768xf32> to vector<33x8x768xf32>
      %sub3A_477 = arith.constant 8 : i32
      %sub3A_478 = arith.subi %sub3A_477, %rem3A_5 : i32
      %rem3A_479 = arith.constant 8 : i32
      %rem3A_480 = arith.remsi %sub3A_478, %rem3A_479 : i32
      %roll3A = tpu.dynamic_rotate %reshape3A by %rem3A_480 dim 1 : vector<33x8x768xf32>, i32 -> vector<33x8x768xf32>
      %iota3A = tpu.iota {dimensions = array<i32: 1>} : vector<32x8x1xi32>
      %sub3A_481 = arith.constant 8 : i32
      %sub3A_482 = arith.subi %sub3A_481, %rem3A_5 : i32
      %lt3A_483 = vector.broadcast %sub3A_482 : i32 to vector<32x8x1xi32>
      %lt3A_484 = arith.cmpi slt, %iota3A, %lt3A_483 : vector<32x8x1xi32>
      %slice3A = vector.extract_strided_slice %roll3A {offsets = [0, 0, 0], sizes = [32, 8, 768], strides = [1, 1, 1]} : vector<33x8x768xf32> to vector<32x8x768xf32>
      %slice3A_485 = vector.extract_strided_slice %roll3A {offsets = [1, 0, 0], sizes = [32, 8, 768], strides = [1, 1, 1]} : vector<33x8x768xf32> to vector<32x8x768xf32>
      %broadcast_in_dim3A = vector.shape_cast %lt3A_484 : vector<32x8x1xi1> to vector<32x8x1xi1>
      %broadcast_in_dim3A_486 = vector.broadcast %broadcast_in_dim3A : vector<32x8x1xi1> to vector<32x8x768xi1>
      %select_n3A_487 = arith.select %broadcast_in_dim3A_486, %slice3A, %slice3A_485 : vector<32x8x768xi1>, vector<32x8x768xf32>
      %reshape3A_488 = vector.shape_cast %select_n3A_487 : vector<32x8x768xf32> to vector<256x768xf32>
      %swap3A = arith.constant 0 : index
      %swap3A_489 = arith.constant 1536 : index
      %swap3A_490 = arith.constant 0 : index
      %swap3A_491 = vector.load %arg3[%swap3A, %swap3A_489, %swap3A_490] : memref<1x2048x768xf32, #tpu.memory_space<vmem>>, vector<1x256x768xf32>
      %swap3A_492 = vector.shape_cast %swap3A_491 : vector<1x256x768xf32> to vector<256x768xf32>
      %swap3A_493 = vector.shape_cast %reshape3A_488 : vector<256x768xf32> to vector<1x256x768xf32>
      tpu.vector_store %arg3[%swap3A, %swap3A_489, %swap3A_490], %swap3A_493 {strides = array<i32>} : memref<1x2048x768xf32, #tpu.memory_space<vmem>>, vector<1x256x768xf32>,
    } else {
    }
    %not3A_399 = arith.constant true
    %not3A_400 = arith.xori %gt3A_380, %not3A_399 : i1
    %and3A_401 = arith.andi %and3A_392, %not3A_400 : i1
    %convert_element_type3A_402 = arith.extui %and3A_401 : i1 to i32
    %cond3A_403 = arith.constant 0 : i32
    %cond3A_404 = arith.cmpi ne, %convert_element_type3A_402, %cond3A_403 : i32
    scf.if %cond3A_404 {
      %min3A = arith.constant 1784 : i32
      %min3A_471 = arith.minsi %mul3A_378, %min3A : i32
      %multiple_of3A = tpu.assume_multiple %min3A_471, 8 : i32
      %get3A_472 = arith.constant 0 : index
      %get3A_473 = arith.index_cast %multiple_of3A : i32 to index
      %get3A_474 = arith.constant 0 : index
      %get3A_475 = vector.load %arg2[%get3A_472, %get3A_473, %get3A_474] : memref<1x2048x768xf32, #tpu.memory_space<vmem>>, vector<1x264x768xf32>
      %get3A_476 = vector.shape_cast %get3A_475 : vector<1x264x768xf32> to vector<264x768xf32>
      %reshape3A = vector.shape_cast %get3A_476 : vector<264x768xf32> to vector<33x8x768xf32>
      %sub3A_477 = arith.constant 8 : i32
      %sub3A_478 = arith.subi %sub3A_477, %rem3A_5 : i32
      %rem3A_479 = arith.constant 8 : i32
      %rem3A_480 = arith.remsi %sub3A_478, %rem3A_479 : i32
      %roll3A = tpu.dynamic_rotate %reshape3A by %rem3A_480 dim 1 : vector<33x8x768xf32>, i32 -> vector<33x8x768xf32>
      %iota3A = tpu.iota {dimensions = array<i32: 1>} : vector<32x8x1xi32>
      %sub3A_481 = arith.constant 8 : i32
      %sub3A_482 = arith.subi %sub3A_481, %rem3A_5 : i32
      %lt3A_483 = vector.broadcast %sub3A_482 : i32 to vector<32x8x1xi32>
      %lt3A_484 = arith.cmpi slt, %iota3A, %lt3A_483 : vector<32x8x1xi32>
      %slice3A = vector.extract_strided_slice %roll3A {offsets = [0, 0, 0], sizes = [32, 8, 768], strides = [1, 1, 1]} : vector<33x8x768xf32> to vector<32x8x768xf32>
      %slice3A_485 = vector.extract_strided_slice %roll3A {offsets = [1, 0, 0], sizes = [32, 8, 768], strides = [1, 1, 1]} : vector<33x8x768xf32> to vector<32x8x768xf32>
      %broadcast_in_dim3A = vector.shape_cast %lt3A_484 : vector<32x8x1xi1> to vector<32x8x1xi1>
      %broadcast_in_dim3A_486 = vector.broadcast %broadcast_in_dim3A : vector<32x8x1xi1> to vector<32x8x768xi1>
      %select_n3A_487 = arith.select %broadcast_in_dim3A_486, %slice3A, %slice3A_485 : vector<32x8x768xi1>, vector<32x8x768xf32>
      %iota3A_488 = tpu.iota {dimensions = array<i32: 0>} : vector<32x8x1xi32>
      %mul3A_489 = arith.constant 8 : i32
      %mul3A_490 = vector.broadcast %mul3A_489 : i32 to vector<32x8x1xi32>
      %mul3A_491 = arith.muli %iota3A_488, %mul3A_490 : vector<32x8x1xi32>
      %add3A_492 = arith.addi %mul3A_491, %iota3A : vector<32x8x1xi32>
      %sub3A_493 = arith.constant 1536 : i32
      %sub3A_494 = arith.subi %sub3A, %sub3A_493 : i32
      %lt3A_495 = vector.broadcast %sub3A_494 : i32 to vector<32x8x1xi32>
      %lt3A_496 = arith.cmpi slt, %add3A_492, %lt3A_495 : vector<32x8x1xi32>
      %jit3A_497 = arith.constant 0.000000e+00 : f32
      %broadcast_in_dim3A_498 = vector.shape_cast %lt3A_496 : vector<32x8x1xi1> to vector<32x8x1xi1>
      %broadcast_in_dim3A_499 = vector.broadcast %broadcast_in_dim3A_498 : vector<32x8x1xi1> to vector<32x8x768xi1>
      %broadcast_in_dim3A_500 = vector.broadcast %jit3A_497 : f32 to vector<32x8x768xf32>
      %select_n3A_501 = arith.select %broadcast_in_dim3A_499, %select_n3A_487, %broadcast_in_dim3A_500 : vector<32x8x768xi1>, vector<32x8x768xf32>
      %reshape3A_502 = vector.shape_cast %select_n3A_501 : vector<32x8x768xf32> to vector<256x768xf32>
      %swap3A = arith.constant 0 : index
      %swap3A_503 = arith.constant 1536 : index
      %swap3A_504 = arith.constant 0 : index
      %swap3A_505 = vector.load %arg3[%swap3A, %swap3A_503, %swap3A_504] : memref<1x2048x768xf32, #tpu.memory_space<vmem>>, vector<1x256x768xf32>
      %swap3A_506 = vector.shape_cast %swap3A_505 : vector<1x256x768xf32> to vector<256x768xf32>
      %swap3A_507 = vector.shape_cast %reshape3A_502 : vector<256x768xf32> to vector<1x256x768xf32>
      tpu.vector_store %arg3[%swap3A, %swap3A_503, %swap3A_504], %swap3A_507 {strides = array<i32>} : memref<1x2048x768xf32, #tpu.memory_space<vmem>>, vector<1x256x768xf32>,
    } else {
    }
    %gt3A_405 = arith.constant 1536 : i32
    %gt3A_406 = arith.cmpi sgt, %sub3A, %gt3A_405 : i32
    %and3A_407 = arith.andi %gt3A_406, %gt3A_380 : i1
    %convert_element_type3A_408 = arith.extui %and3A_407 : i1 to i32
    %cond3A_409 = arith.constant 0 : i32
    %cond3A_410 = arith.cmpi ne, %convert_element_type3A_408, %cond3A_409 : i32
    scf.if %cond3A_410 {
      %min3A = arith.constant 1784 : i32
      %min3A_471 = arith.minsi %mul3A_378, %min3A : i32
      %multiple_of3A = tpu.assume_multiple %min3A_471, 8 : i32
      %add3A_472 = arith.constant 1536 : i32
      %add3A_473 = arith.addi %get3A_1, %add3A_472 : i32
      %sub3A_474 = arith.subi %add3A_473, %multiple_of3A : i32
      %get3A_475 = arith.constant 0 : index
      %get3A_476 = arith.index_cast %multiple_of3A : i32 to index
      %get3A_477 = arith.constant 0 : index
      %get3A_478 = vector.load %arg2[%get3A_475, %get3A_476, %get3A_477] : memref<1x2048x768xf32, #tpu.memory_space<vmem>>, vector<1x264x768xf32>
      %get3A_479 = vector.shape_cast %get3A_478 : vector<1x264x768xf32> to vector<264x768xf32>
      %sub3A_480 = arith.constant 264 : i32
      %sub3A_481 = arith.subi %sub3A_480, %sub3A_474 : i32
      %rem3A_482 = arith.constant 264 : i32
      %rem3A_483 = arith.remsi %sub3A_481, %rem3A_482 : i32
      %roll3A = tpu.dynamic_rotate %get3A_479 by %rem3A_483 dim 0 : vector<264x768xf32>, i32 -> vector<264x768xf32>
      %iota3A = tpu.iota {dimensions = array<i32: 0>} : vector<256x1xi32>
      %sub3A_484 = arith.constant 1536 : i32
      %sub3A_485 = arith.subi %sub3A, %sub3A_484 : i32
      %lt3A_486 = vector.broadcast %sub3A_485 : i32 to vector<256x1xi32>
      %lt3A_487 = arith.cmpi slt, %iota3A, %lt3A_486 : vector<256x1xi32>
      %slice3A = vector.extract_strided_slice %roll3A {offsets = [0, 0], sizes = [256, 768], strides = [1, 1]} : vector<264x768xf32> to vector<256x768xf32>
      %jit3A_488 = arith.constant 0.000000e+00 : f32
      %broadcast_in_dim3A = vector.shape_cast %lt3A_487 : vector<256x1xi1> to vector<256x1xi1>
      %broadcast_in_dim3A_489 = vector.broadcast %broadcast_in_dim3A : vector<256x1xi1> to vector<256x768xi1>
      %broadcast_in_dim3A_490 = vector.broadcast %jit3A_488 : f32 to vector<256x768xf32>
      %select_n3A_491 = arith.select %broadcast_in_dim3A_489, %slice3A, %broadcast_in_dim3A_490 : vector<256x768xi1>, vector<256x768xf32>
      %swap3A = arith.constant 0 : index
      %swap3A_492 = arith.constant 1536 : index
      %swap3A_493 = arith.constant 0 : index
      %swap3A_494 = vector.load %arg3[%swap3A, %swap3A_492, %swap3A_493] : memref<1x2048x768xf32, #tpu.memory_space<vmem>>, vector<1x256x768xf32>
      %swap3A_495 = vector.shape_cast %swap3A_494 : vector<1x256x768xf32> to vector<256x768xf32>
      %swap3A_496 = vector.shape_cast %select_n3A_491 : vector<256x768xf32> to vector<1x256x768xf32>
      tpu.vector_store %arg3[%swap3A, %swap3A_492, %swap3A_493], %swap3A_496 {strides = array<i32>} : memref<1x2048x768xf32, #tpu.memory_space<vmem>>, vector<1x256x768xf32>,
    } else {
    }
    %add3A_411 = arith.constant 1792 : i32
    %add3A_412 = arith.addi %get3A_1, %add3A_411 : i32
    %jit3A_413 = arith.constant 8 : i32
    %div3A_414 = arith.divsi %add3A_412, %jit3A_413 : i32
    %sign3A_415 = arith.constant 0 : i32
    %sign3A_416 = arith.cmpi sgt, %add3A_412, %sign3A_415 : i32
    %sign3A_417 = arith.extui %sign3A_416 : i1 to i32
    %sign3A_418 = arith.constant 0 : i32
    %sign3A_419 = arith.cmpi slt, %add3A_412, %sign3A_418 : i32
    %sign3A_420 = arith.extui %sign3A_419 : i1 to i32
    %sign3A_421 = arith.subi %sign3A_417, %sign3A_420 : i32
    %sign3A_422 = arith.constant 0 : i32
    %sign3A_423 = arith.cmpi sgt, %jit3A_413, %sign3A_422 : i32
    %sign3A_424 = arith.extui %sign3A_423 : i1 to i32
    %sign3A_425 = arith.constant 0 : i32
    %sign3A_426 = arith.cmpi slt, %jit3A_413, %sign3A_425 : i32
    %sign3A_427 = arith.extui %sign3A_426 : i1 to i32
    %sign3A_428 = arith.subi %sign3A_424, %sign3A_427 : i32
    %ne3A_429 = arith.cmpi ne, %sign3A_421, %sign3A_428 : i32
    %rem3A_430 = arith.remsi %add3A_412, %jit3A_413 : i32
    %ne3A_431 = arith.constant 0 : i32
    %ne3A_432 = arith.cmpi ne, %rem3A_430, %ne3A_431 : i32
    %and3A_433 = arith.andi %ne3A_429, %ne3A_432 : i1
    %sub3A_434 = arith.constant 1 : i32
    %sub3A_435 = arith.subi %div3A_414, %sub3A_434 : i32
    %select_n3A_436 = arith.select %and3A_433, %sub3A_435, %div3A_414 : i32
    %mul3A_437 = arith.constant 8 : i32
    %mul3A_438 = arith.muli %select_n3A_436, %mul3A_437 : i32
    %gt3A_439 = arith.constant 1784 : i32
    %gt3A_440 = arith.cmpi sgt, %mul3A_438, %gt3A_439 : i32
    %le3A_441 = arith.constant 1792 : i32
    %le3A_442 = arith.cmpi sle, %sub3A, %le3A_441 : i32
    %convert_element_type3A_443 = arith.extui %le3A_442 : i1 to i32
    %cond3A_444 = arith.constant 0 : i32
    %cond3A_445 = arith.cmpi ne, %convert_element_type3A_443, %cond3A_444 : i32
    scf.if %cond3A_445 {
      %broadcast_in_dim3A = arith.constant 0.000000e+00 : f32
      %broadcast_in_dim3A_471 = vector.broadcast %broadcast_in_dim3A : f32 to vector<256x768xf32>
      %swap3A = arith.constant 0 : index
      %swap3A_472 = arith.constant 1792 : index
      %swap3A_473 = arith.constant 0 : index
      %swap3A_474 = vector.load %arg3[%swap3A, %swap3A_472, %swap3A_473] : memref<1x2048x768xf32, #tpu.memory_space<vmem>>, vector<1x256x768xf32>
      %swap3A_475 = vector.shape_cast %swap3A_474 : vector<1x256x768xf32> to vector<256x768xf32>
      %swap3A_476 = vector.shape_cast %broadcast_in_dim3A_471 : vector<256x768xf32> to vector<1x256x768xf32>
      tpu.vector_store %arg3[%swap3A, %swap3A_472, %swap3A_473], %swap3A_476 {strides = array<i32>} : memref<1x2048x768xf32, #tpu.memory_space<vmem>>, vector<1x256x768xf32>,
    } else {
    }
    %ge3A_446 = arith.constant 2048 : i32
    %ge3A_447 = arith.cmpi sge, %sub3A, %ge3A_446 : i32
    %gt3A_448 = arith.constant 1792 : i32
    %gt3A_449 = arith.cmpi sgt, %sub3A, %gt3A_448 : i32
    %lt3A_450 = arith.constant 2048 : i32
    %lt3A_451 = arith.cmpi slt, %sub3A, %lt3A_450 : i32
    %and3A_452 = arith.andi %gt3A_449, %lt3A_451 : i1
    %not3A_453 = arith.constant true
    %not3A_454 = arith.xori %gt3A_440, %not3A_453 : i1
    %and3A_455 = arith.andi %ge3A_447, %not3A_454 : i1
    %convert_element_type3A_456 = arith.extui %and3A_455 : i1 to i32
    %cond3A_457 = arith.constant 0 : i32
    %cond3A_458 = arith.cmpi ne, %convert_element_type3A_456, %cond3A_457 : i32
    scf.if %cond3A_458 {
      %min3A = arith.constant 1784 : i32
      %min3A_471 = arith.minsi %mul3A_438, %min3A : i32
      %multiple_of3A = tpu.assume_multiple %min3A_471, 8 : i32
      %get3A_472 = arith.constant 0 : index
      %get3A_473 = arith.index_cast %multiple_of3A : i32 to index
      %get3A_474 = arith.constant 0 : index
      %get3A_475 = vector.load %arg2[%get3A_472, %get3A_473, %get3A_474] : memref<1x2048x768xf32, #tpu.memory_space<vmem>>, vector<1x264x768xf32>
      %get3A_476 = vector.shape_cast %get3A_475 : vector<1x264x768xf32> to vector<264x768xf32>
      %reshape3A = vector.shape_cast %get3A_476 : vector<264x768xf32> to vector<33x8x768xf32>
      %sub3A_477 = arith.constant 8 : i32
      %sub3A_478 = arith.subi %sub3A_477, %rem3A_5 : i32
      %rem3A_479 = arith.constant 8 : i32
      %rem3A_480 = arith.remsi %sub3A_478, %rem3A_479 : i32
      %roll3A = tpu.dynamic_rotate %reshape3A by %rem3A_480 dim 1 : vector<33x8x768xf32>, i32 -> vector<33x8x768xf32>
      %iota3A = tpu.iota {dimensions = array<i32: 1>} : vector<32x8x1xi32>
      %sub3A_481 = arith.constant 8 : i32
      %sub3A_482 = arith.subi %sub3A_481, %rem3A_5 : i32
      %lt3A_483 = vector.broadcast %sub3A_482 : i32 to vector<32x8x1xi32>
      %lt3A_484 = arith.cmpi slt, %iota3A, %lt3A_483 : vector<32x8x1xi32>
      %slice3A = vector.extract_strided_slice %roll3A {offsets = [0, 0, 0], sizes = [32, 8, 768], strides = [1, 1, 1]} : vector<33x8x768xf32> to vector<32x8x768xf32>
      %slice3A_485 = vector.extract_strided_slice %roll3A {offsets = [1, 0, 0], sizes = [32, 8, 768], strides = [1, 1, 1]} : vector<33x8x768xf32> to vector<32x8x768xf32>
      %broadcast_in_dim3A = vector.shape_cast %lt3A_484 : vector<32x8x1xi1> to vector<32x8x1xi1>
      %broadcast_in_dim3A_486 = vector.broadcast %broadcast_in_dim3A : vector<32x8x1xi1> to vector<32x8x768xi1>
      %select_n3A_487 = arith.select %broadcast_in_dim3A_486, %slice3A, %slice3A_485 : vector<32x8x768xi1>, vector<32x8x768xf32>
      %reshape3A_488 = vector.shape_cast %select_n3A_487 : vector<32x8x768xf32> to vector<256x768xf32>
      %swap3A = arith.constant 0 : index
      %swap3A_489 = arith.constant 1792 : index
      %swap3A_490 = arith.constant 0 : index
      %swap3A_491 = vector.load %arg3[%swap3A, %swap3A_489, %swap3A_490] : memref<1x2048x768xf32, #tpu.memory_space<vmem>>, vector<1x256x768xf32>
      %swap3A_492 = vector.shape_cast %swap3A_491 : vector<1x256x768xf32> to vector<256x768xf32>
      %swap3A_493 = vector.shape_cast %reshape3A_488 : vector<256x768xf32> to vector<1x256x768xf32>
      tpu.vector_store %arg3[%swap3A, %swap3A_489, %swap3A_490], %swap3A_493 {strides = array<i32>} : memref<1x2048x768xf32, #tpu.memory_space<vmem>>, vector<1x256x768xf32>,
    } else {
    }
    %not3A_459 = arith.constant true
    %not3A_460 = arith.xori %gt3A_440, %not3A_459 : i1
    %and3A_461 = arith.andi %and3A_452, %not3A_460 : i1
    %convert_element_type3A_462 = arith.extui %and3A_461 : i1 to i32
    %cond3A_463 = arith.constant 0 : i32
    %cond3A_464 = arith.cmpi ne, %convert_element_type3A_462, %cond3A_463 : i32
    scf.if %cond3A_464 {
      %min3A = arith.constant 1784 : i32
      %min3A_471 = arith.minsi %mul3A_438, %min3A : i32
      %multiple_of3A = tpu.assume_multiple %min3A_471, 8 : i32
      %get3A_472 = arith.constant 0 : index
      %get3A_473 = arith.index_cast %multiple_of3A : i32 to index
      %get3A_474 = arith.constant 0 : index
      %get3A_475 = vector.load %arg2[%get3A_472, %get3A_473, %get3A_474] : memref<1x2048x768xf32, #tpu.memory_space<vmem>>, vector<1x264x768xf32>
      %get3A_476 = vector.shape_cast %get3A_475 : vector<1x264x768xf32> to vector<264x768xf32>
      %reshape3A = vector.shape_cast %get3A_476 : vector<264x768xf32> to vector<33x8x768xf32>
      %sub3A_477 = arith.constant 8 : i32
      %sub3A_478 = arith.subi %sub3A_477, %rem3A_5 : i32
      %rem3A_479 = arith.constant 8 : i32
      %rem3A_480 = arith.remsi %sub3A_478, %rem3A_479 : i32
      %roll3A = tpu.dynamic_rotate %reshape3A by %rem3A_480 dim 1 : vector<33x8x768xf32>, i32 -> vector<33x8x768xf32>
      %iota3A = tpu.iota {dimensions = array<i32: 1>} : vector<32x8x1xi32>
      %sub3A_481 = arith.constant 8 : i32
      %sub3A_482 = arith.subi %sub3A_481, %rem3A_5 : i32
      %lt3A_483 = vector.broadcast %sub3A_482 : i32 to vector<32x8x1xi32>
      %lt3A_484 = arith.cmpi slt, %iota3A, %lt3A_483 : vector<32x8x1xi32>
      %slice3A = vector.extract_strided_slice %roll3A {offsets = [0, 0, 0], sizes = [32, 8, 768], strides = [1, 1, 1]} : vector<33x8x768xf32> to vector<32x8x768xf32>
      %slice3A_485 = vector.extract_strided_slice %roll3A {offsets = [1, 0, 0], sizes = [32, 8, 768], strides = [1, 1, 1]} : vector<33x8x768xf32> to vector<32x8x768xf32>
      %broadcast_in_dim3A = vector.shape_cast %lt3A_484 : vector<32x8x1xi1> to vector<32x8x1xi1>
      %broadcast_in_dim3A_486 = vector.broadcast %broadcast_in_dim3A : vector<32x8x1xi1> to vector<32x8x768xi1>
      %select_n3A_487 = arith.select %broadcast_in_dim3A_486, %slice3A, %slice3A_485 : vector<32x8x768xi1>, vector<32x8x768xf32>
      %iota3A_488 = tpu.iota {dimensions = array<i32: 0>} : vector<32x8x1xi32>
      %mul3A_489 = arith.constant 8 : i32
      %mul3A_490 = vector.broadcast %mul3A_489 : i32 to vector<32x8x1xi32>
      %mul3A_491 = arith.muli %iota3A_488, %mul3A_490 : vector<32x8x1xi32>
      %add3A_492 = arith.addi %mul3A_491, %iota3A : vector<32x8x1xi32>
      %sub3A_493 = arith.constant 1792 : i32
      %sub3A_494 = arith.subi %sub3A, %sub3A_493 : i32
      %lt3A_495 = vector.broadcast %sub3A_494 : i32 to vector<32x8x1xi32>
      %lt3A_496 = arith.cmpi slt, %add3A_492, %lt3A_495 : vector<32x8x1xi32>
      %jit3A_497 = arith.constant 0.000000e+00 : f32
      %broadcast_in_dim3A_498 = vector.shape_cast %lt3A_496 : vector<32x8x1xi1> to vector<32x8x1xi1>
      %broadcast_in_dim3A_499 = vector.broadcast %broadcast_in_dim3A_498 : vector<32x8x1xi1> to vector<32x8x768xi1>
      %broadcast_in_dim3A_500 = vector.broadcast %jit3A_497 : f32 to vector<32x8x768xf32>
      %select_n3A_501 = arith.select %broadcast_in_dim3A_499, %select_n3A_487, %broadcast_in_dim3A_500 : vector<32x8x768xi1>, vector<32x8x768xf32>
      %reshape3A_502 = vector.shape_cast %select_n3A_501 : vector<32x8x768xf32> to vector<256x768xf32>
      %swap3A = arith.constant 0 : index
      %swap3A_503 = arith.constant 1792 : index
      %swap3A_504 = arith.constant 0 : index
      %swap3A_505 = vector.load %arg3[%swap3A, %swap3A_503, %swap3A_504] : memref<1x2048x768xf32, #tpu.memory_space<vmem>>, vector<1x256x768xf32>
      %swap3A_506 = vector.shape_cast %swap3A_505 : vector<1x256x768xf32> to vector<256x768xf32>
      %swap3A_507 = vector.shape_cast %reshape3A_502 : vector<256x768xf32> to vector<1x256x768xf32>
      tpu.vector_store %arg3[%swap3A, %swap3A_503, %swap3A_504], %swap3A_507 {strides = array<i32>} : memref<1x2048x768xf32, #tpu.memory_space<vmem>>, vector<1x256x768xf32>,
    } else {
    }
    %gt3A_465 = arith.constant 1792 : i32
    %gt3A_466 = arith.cmpi sgt, %sub3A, %gt3A_465 : i32
    %and3A_467 = arith.andi %gt3A_466, %gt3A_440 : i1
    %convert_element_type3A_468 = arith.extui %and3A_467 : i1 to i32
    %cond3A_469 = arith.constant 0 : i32
    %cond3A_470 = arith.cmpi ne, %convert_element_type3A_468, %cond3A_469 : i32
    scf.if %cond3A_470 {
      %min3A = arith.constant 1784 : i32
      %min3A_471 = arith.minsi %mul3A_438, %min3A : i32
      %multiple_of3A = tpu.assume_multiple %min3A_471, 8 : i32
      %add3A_472 = arith.constant 1792 : i32
      %add3A_473 = arith.addi %get3A_1, %add3A_472 : i32
      %sub3A_474 = arith.subi %add3A_473, %multiple_of3A : i32
      %get3A_475 = arith.constant 0 : index
      %get3A_476 = arith.index_cast %multiple_of3A : i32 to index
      %get3A_477 = arith.constant 0 : index
      %get3A_478 = vector.load %arg2[%get3A_475, %get3A_476, %get3A_477] : memref<1x2048x768xf32, #tpu.memory_space<vmem>>, vector<1x264x768xf32>
      %get3A_479 = vector.shape_cast %get3A_478 : vector<1x264x768xf32> to vector<264x768xf32>
      %sub3A_480 = arith.constant 264 : i32
      %sub3A_481 = arith.subi %sub3A_480, %sub3A_474 : i32
      %rem3A_482 = arith.constant 264 : i32
      %rem3A_483 = arith.remsi %sub3A_481, %rem3A_482 : i32
      %roll3A = tpu.dynamic_rotate %get3A_479 by %rem3A_483 dim 0 : vector<264x768xf32>, i32 -> vector<264x768xf32>
      %iota3A = tpu.iota {dimensions = array<i32: 0>} : vector<256x1xi32>
      %sub3A_484 = arith.constant 1792 : i32
      %sub3A_485 = arith.subi %sub3A, %sub3A_484 : i32
      %lt3A_486 = vector.broadcast %sub3A_485 : i32 to vector<256x1xi32>
      %lt3A_487 = arith.cmpi slt, %iota3A, %lt3A_486 : vector<256x1xi32>
      %slice3A = vector.extract_strided_slice %roll3A {offsets = [0, 0], sizes = [256, 768], strides = [1, 1]} : vector<264x768xf32> to vector<256x768xf32>
      %jit3A_488 = arith.constant 0.000000e+00 : f32
      %broadcast_in_dim3A = vector.shape_cast %lt3A_487 : vector<256x1xi1> to vector<256x1xi1>
      %broadcast_in_dim3A_489 = vector.broadcast %broadcast_in_dim3A : vector<256x1xi1> to vector<256x768xi1>
      %broadcast_in_dim3A_490 = vector.broadcast %jit3A_488 : f32 to vector<256x768xf32>
      %select_n3A_491 = arith.select %broadcast_in_dim3A_489, %slice3A, %broadcast_in_dim3A_490 : vector<256x768xi1>, vector<256x768xf32>
      %swap3A = arith.constant 0 : index
      %swap3A_492 = arith.constant 1792 : index
      %swap3A_493 = arith.constant 0 : index
      %swap3A_494 = vector.load %arg3[%swap3A, %swap3A_492, %swap3A_493] : memref<1x2048x768xf32, #tpu.memory_space<vmem>>, vector<1x256x768xf32>
      %swap3A_495 = vector.shape_cast %swap3A_494 : vector<1x256x768xf32> to vector<256x768xf32>
      %swap3A_496 = vector.shape_cast %select_n3A_491 : vector<256x768xf32> to vector<1x256x768xf32>
      tpu.vector_store %arg3[%swap3A, %swap3A_492, %swap3A_493], %swap3A_496 {strides = array<i32>} : memref<1x2048x768xf32, #tpu.memory_space<vmem>>, vector<1x256x768xf32>,
    } else {
    }
    return
  }
  func.func @transform_0(%arg0: i32, %arg1: memref<16x2xi32, #tpu.memory_space<smem>>) -> (i32, i32, i32) {
    %c0_i32 = arith.constant 0 : i32
    %c0_i32_0 = arith.constant 0 : i32
    %c0_i32_1 = arith.constant 0 : i32
    return %arg0, %c0_i32, %c0_i32_0 : i32, i32, i32
  }
  func.func @transform_1(%arg0: i32, %arg1: memref<16x2xi32, #tpu.memory_space<smem>>) -> (i32, i32, i32) {
    %c0_i32 = arith.constant 0 : i32
    %c0_i32_0 = arith.constant 0 : i32
    %c0_i32_1 = arith.constant 0 : i32
    return %arg0, %c0_i32, %c0_i32_0 : i32, i32, i32
  }
}

</mosaic_0001>

<sc_bundles>
// kernel: kernel.4.cloned.1.call-start
scs
__scs_entry_jumppad:
0x0: {  	(pc) =	sbr.rel $0x88, $3  }
0x1: {  	(tag) =	ssettag $0x0;
	lr =	simm.s32 $0x1  }
0x2: {  	[smem:$0x3F9E] =	sst lr;
	_ =	strace $0xD0000000  }
0x3: {  	_ = 	snop  }
0x4: {  	_ = 	snop  }
0x5: {  	_ = 	snop  }
0x6: {  	_ = 	snop  }
0x7: {  	_ = 	snop  }
__scs_overlays_trampoline_lowered:
0x8: {  	[smem:$0x3FAD] =	sst s0  }
0x9: {  	[smem:$0x3FAE] =	sst s1  }
0xa: {  	[smem:$0x3FAF] =	sst s2  }
0xb: {  	[smem:$0x3FB0] =	sst s3  }
0xc: {  	[smem:$0x3FB1] =	sst s4  }
0xd: {  	[smem:$0x3FB2] =	sst s5  }
0xe: {  	[smem:$0x3FB3] =	sst s6  }
0xf: {  	[smem:$0x3FB4] =	sst s7  }
0x10: {  	[smem:$0x3FB5] =	sst s8  }
0x11: {  	[smem:$0x3FB6] =	sst s9;
	s0 =	simm.s32 @!p0 $0x0  }
0x12: {  	s1 =	sld [smem:$0x3F9C];
	s0 =	simm.s32 @p0 $0x1  }
0x13: {  	[smem:$0x3FB7] =	sst s0;
	s0 =	simm.s32 @!p1 $0x0  }
0x14: {  	s2 =	sld [smem:$0x3F9B];
	s0 =	simm.s32 @p1 $0x1  }
0x15: {  	[smem:$0x3FB8] =	sst s0;
	s0 =	simm.s32 @!p2 $0x0  }
0x16: {  	s3 =	sld [smem:$0x3FDB];
	s0 =	simm.s32 @p2 $0x1  }
0x17: {  	s4 =	simm.s32 $0x1BF5;
	[smem:$0x3FBA] =	sst s0  }
0x18: {  	s0 =	sld [smem:$0x3F9D];
	_ =	swait.ge [sflag:s4], $0x0  }
0x19: {  	s7 =	sld [smem:$0x3F9E]  }
0x1a: {  	s8 =	sadd.s32 $0xFFFFE003, lr  }
0x1b: {  	s9 =	sadd.s32 $0xFFFFFEF7, lr;
	s5 =	simm.s32 $0xFFFFFFFF;
	p2 =	slt.u32 s8, $0xFFFFF086  }
0x1c: {  	p1 =	slt.u32 s9, $0xF7A;
	s5 =	simm.s32 @!p2 $0x0  }
0x1d: {  	s5 =	simm.s32 @p1 $0x1;
	p0 =	seq.s32 s7, s2  }
0x1e: {  	s7 =	smul.u32 @!p0 $0xF7A, s2;
	p2 =	seq.s32 @!p0 s5, $0x0  }
0x1f: {  	s9 =	smul.u32 $0xF7A, s1;
	s8 =	simm.s32 @!p0 $0x1BF5;
	p2 =	por !p2, p0  }
0x20: {  	[sflag:s8] =	ssyncset.s32 @!p0 $0xFFFFF086;
	s6 =	sadd.s32 @!p0 s3, s7;
	s7 =	simm.s32 @!p0 $0x108  }
0x21: {  	s3 =	sadd.s32 s3, s9;
	s6 =	sadd.s32 @!p0 $0x88, s6;
	s7 =	simm.s32 @p2 $0x1082  }
0x22: {  	[simem:s7], [sflag:s8] =	dma.local @!p0 [hbm:s6], $0xF7A  }
0x23: {  	s9 =	sor.u32 $0xD0000000, s2;
	s6 =	simm.s32 $0x108;
	_ =	swait.ge @!p0 [sflag:s8], $0x0  }
0x24: {  	s3 =	sadd.s32 $0x88, s3;
	s6 =	simm.s32 @!p1 $0x1082;
	[sflag:s4] =	ssyncset.s32 $0xFFFFF086  }
0x25: {  	[simem:s6], [sflag:s4] =	dma.local [hbm:s3], $0xF7A  }
0x26: {  	[smem:$0x3F9E] =	sst s1;
	(tag) =	ssettag s2;
	_ =	strace s9  }
0x27: {  	s1 =	sld [smem:$0x3FAE]  }
0x28: {  	s2 =	sld [smem:$0x3FAF]  }
0x29: {  	s4 =	sld [smem:$0x3FB1]  }
0x2a: {  	p0 =	seq.s32 s5, $0x0;
	s5 =	sld [smem:$0x3FB2]  }
0x2b: {  	s6 =	sld [smem:$0x3FB3]  }
0x2c: {  	s7 =	sld [smem:$0x3FB4]  }
0x2d: {  	s3 =	simm.s32 $0x108;
	s8 =	sld [smem:$0x3FB5]  }
0x2e: {  	s3 =	simm.s32 @!p0 $0x1082;
	s9 =	sld [smem:$0x3FB6]  }
0x2f: {  	lr =	sadd.s32 s0, s3;
	s0 =	sld [smem:$0x3FAD]  }
0x30: {  	s3 =	sld [smem:$0x3FB0]  }
0x31: {  	[smem:$0x3FB9] =	sst s10  }
0x32: {  	s10 =	sld [smem:$0x3FB7];
	_ =	sdelay $0x3  }
0x33: {  	p0 =	seq.s32 s10, $0x1;
	s10 =	sld [smem:$0x3FB9];
	_ =	sdelay $0x3  }
0x34: {  	[smem:$0x3FB9] =	sst s10  }
0x35: {  	s10 =	sld [smem:$0x3FB8];
	_ =	sdelay $0x3  }
0x36: {  	p1 =	seq.s32 s10, $0x1;
	s10 =	sld [smem:$0x3FB9];
	_ =	sdelay $0x3  }
0x37: {  	[smem:$0x3FB9] =	sst s10  }
0x38: {  	s10 =	sld [smem:$0x3FBA]  }
0x39: {  	_ = 	snop;
	(pc) =	sbr.ind lr, $3  }
0x3a: {  	_ = 	snop  }
0x3b: {  	_ = 	snop  }
0x3c: {  	p2 =	seq.s32 s10, $0x1;
	s10 =	sld [smem:$0x3FB9]  }
0x3d: {  	_ =	shalt  }
0x3e: {  	_ =	shalt  }
0x3f: {  	_ =	shalt  }
0x40: {  	_ =	shalt  }
0x41: {  	_ =	shalt  }
0x42: {  	_ =	shalt  }
0x43: {  	_ =	shalt  }
0x44: {  	_ =	shalt  }
0x45: {  	_ =	shalt  }
0x46: {  	_ =	shalt  }
0x47: {  	_ =	shalt  }
0x48: {  	_ =	shalt  }
0x49: {  	_ =	shalt  }
0x4a: {  	_ =	shalt  }
0x4b: {  	_ =	shalt  }
0x4c: {  	_ =	shalt  }
0x4d: {  	_ =	shalt  }
0x4e: {  	_ =	shalt  }
0x4f: {  	_ =	shalt  }
0x50: {  	_ =	shalt  }
0x51: {  	_ =	shalt  }
0x52: {  	_ =	shalt  }
0x53: {  	_ =	shalt  }
0x54: {  	_ =	shalt  }
0x55: {  	_ =	shalt  }
0x56: {  	_ =	shalt  }
0x57: {  	_ =	shalt  }
0x58: {  	_ =	shalt  }
0x59: {  	_ =	shalt  }
0x5a: {  	_ =	shalt  }
0x5b: {  	_ =	shalt  }
0x5c: {  	_ =	shalt  }
0x5d: {  	_ =	shalt  }
0x5e: {  	_ =	shalt  }
0x5f: {  	_ =	shalt  }
0x60: {  	_ =	shalt  }
0x61: {  	_ =	shalt  }
0x62: {  	_ =	shalt  }
0x63: {  	_ =	shalt  }
0x64: {  	_ =	shalt  }
0x65: {  	_ =	shalt  }
0x66: {  	_ =	shalt  }
0x67: {  	_ =	shalt  }
0x68: {  	_ =	shalt  }
0x69: {  	_ =	shalt  }
0x6a: {  	_ =	shalt  }
0x6b: {  	_ =	shalt  }
0x6c: {  	_ =	shalt  }
0x6d: {  	_ =	shalt  }
0x6e: {  	_ =	shalt  }
0x6f: {  	_ =	shalt  }
0x70: {  	_ =	shalt  }
0x71: {  	_ =	shalt  }
0x72: {  	_ =	shalt  }
0x73: {  	_ =	shalt  }
0x74: {  	_ =	shalt  }
0x75: {  	_ =	shalt  }
0x76: {  	_ =	shalt  }
0x77: {  	_ =	shalt  }
0x78: {  	_ =	shalt  }
0x79: {  	_ =	shalt  }
0x7a: {  	_ =	shalt  }
0x7b: {  	_ =	shalt  }
0x7c: {  	_ =	shalt  }
0x7d: {  	_ =	shalt  }
0x7e: {  	_ =	shalt  }
0x7f: {  	_ =	shalt  }
0x80: {  	_ =	shalt  }
0x81: {  	_ =	shalt  }
0x82: {  	_ =	shalt  }
0x83: {  	_ =	shalt  }
0x84: {  	_ =	shalt  }
0x85: {  	_ =	shalt  }
0x86: {  	_ =	shalt  }
0x87: {  	_ =	shalt  }
.Lfunc_end0:
.L_simem_size_0:
called_computation_lowered:
.L_overlay_start_0:
0x88: {  	s2 =	sld [smem:$0x3FD9]  }
0x89: {  	s3 =	sld [smem:$0x3FFE];
	_ =	sdelay $0x1  }
0x8a: {  	s1 =	srdreg.scid  }
0x8b: {  	s0 =	sand.u32 $0x1, s1  }
0x8c: {  	s17 =	sshll.u32 s0, $0xA;
	s2 =	sadd.s32 s3, s2  }
0x8d: {  	s2 =	sadd.s32 s2, s17  }
0x8e: {  	[smem:$0x3FC5] =	sst s2  }
0x8f: {  	_ = 	snop  }
0x90: {  	s2 =	sld [smem:$0x3FD0];
	(tm) =	ssettm $0x1  }
0x91: {  	s18 =	sld [smem:$0x3FFB];
	_ =	sdelay $0x3  }
0x92: {  	_ =	strace s18  }
0x93: {  	s3 =	sld [smem:$0x3FFC];
	_ =	sdelay $0x3  }
0x94: {  	_ =	strace s3  }
0x95: {  	s3 =	sld [smem:$0x3FFD];
	_ =	sdelay $0x3  }
0x96: {  	_ =	strace s3  }
0x97: {  	_ =	strace $0x8FFFFFFF  }
0x98: {  	s19 =	sld [smem:$0x3FDB];
	_ =	sdelay $0x1  }
0x99: {  	s4 =	simm.s32 $_scs_section_size  }
0x9a: {  	s5 =	simm.s32 $_size__tile_overlayer_lowered;
	s6 =	simm.s32 $_tile_overlayer_lowered  }
0x9b: {  	s22 =	simm.s32 $0x1BFF;
	s21 =	sshll.u32 s6, $0x1;
	s3 =	sadd.s32 s4, s19  }
0x9c: {  	s7 =	simm.s32 $0x0;
	s20 =	sshll.u32 s5, $0x1;
	s5 =	sadd.s32 s21, s3  }
0x9d: {  	[timem:s7], [sflag:s22] =	dma.local [hbm:s5], s20  }
0x9e: {  	_ =	swait.ge [sflag:s22], s20  }
0x9f: {  	s4 =	ssub.s32 $0x0, s20;
	[sflag:s22] =	ssyncset.done $0x0  }
0xa0: {  	[sflag:s22] =	ssyncadd.s32 s4;
	_ =	sdelay $0x1  }
0xa1: {  	s23 =	simm.s32 $0x1B8B  }
0xa2: {  	_ =	swait.ge [sflag:s23], $0x1  }
0xa3: {  	[sflag:s23] =	ssyncset.done $0x0  }
0xa4: {  	s25 =	simm.s32 $0x1B8E;
	s24 =	sld [smem:$0x3FFE];
	[sflag:s23] =	ssyncadd.s32 $0xFFFFFFFF  }
0xa5: {  	s26 =	simm.s32 $execute0_lowered;
	[smem:$0x3FD2] =	sst s25  }
0xa6: {  	s5 =	sshll.u32 s26, $0x1;
	_ =	strace $0x80000046;
	[dreg:$0x1] =	wrdreg $0xFFFFFFFF  }
0xa7: {  	s28 =	simm.s32 $_size_execute0_lowered;
	s3 =	sadd.s32 s3, s5;
	[dreg:$0x0] =	wrdreg $0x0  }
0xa8: {  	s5 =	sshll.u32 s28, $0x1;
	[dreg:$0x2] =	wrdreg s3  }
0xa9: {  	[dreg:$0x3] =	wrdreg s5  }
0xaa: {  	[dreg:$0x4] =	wrdreg $0xC0  }
0xab: {  	_ =	task [dreg:s7], $0x5FFFF  }
0xac: {  	[dreg:$0x1] =	wrdreg $0xFFFFFFFF  }
0xad: {  	[dreg:$0x0] =	wrdreg $0x60  }
0xae: {  	[dreg:$0x2] =	wrdreg s2  }
0xaf: {  	[dreg:$0x3] =	wrdreg s24  }
0xb0: {  	[dreg:$0x4] =	wrdreg $0x9  }
0xb1: {  	_ =	task.clear_ibuf [dreg:s7], $0x5FFFF;
	_ =	strace $0x90000046  }
0xb2: {  	s29 =	simm.s32 $0x9;
	_ =	strace $0x80000048  }
0xb3: {  	_ =	swait.ge [sflag:s29], $0x1  }
0xb4: {  	[sflag:s29] =	ssyncadd.s32 $0xFFFFFFFF  }
0xb5: {  	_ =	strace $0x90000048  }
0xb6: {  	_ =	sfence  }
0xb7: {  	s30 =	sld [smem:$0x0];
	_ =	sdelay $0x2  }
0xb8: {  	s31 =	sshll.u32 s1, $0xD;
	s1 =	sshrl.u32 s1, $0x2  }
0xb9: {  	s3 =	sand.u32 $0x4000, s31;
	s1 =	sadd.s32 s1, s30  }
0xba: {  	s0 =	sor.u32 s3, s0;
	s1 =	sshll.u32 s1, $0x11  }
0xbb: {  	s0 =	sor.u32 s1, s0  }
0xbc: {  	s0 =	sadd.s32 $0x8F2B, s0  }
0xbd: {  	[sflag:s0] =	ssyncadd.remote.s32 $0x1  }
0xbe: {  	_ =	sfence.sel $0xFFFF  }
0xbf: {  	[dreg:$0x0] =	wrdreg $0xFFFFFFFF;
	(pc) =	sbr.abs _section_cstart, $3  }
0xc0: {  	[dreg:$0x1] =	wrdreg $0xFFFFFFFF  }
0xc1: {  	_ =	task.clear_ibuf [dreg:s7], $0x2FFFF;
	_ =	strace $0x9FFFFFFF  }
0xc2: {  	(tm) =	ssettm $0x7FFFFFFF  }
0xc3: {  	_ =	shalt  }
tec
execute0_lowered:
.L_overlay_start_1:
0x0: {  	(tag) =	ssettag $0x1  }
0x1: {  	s1 =	srdreg.scid  }
0x2: {  	s1 =	sand.u32 $0x1, s1  }
0x3: {  	p0 =	seq.s32 s1, $0x1  }
.Ltmp0:
0x4: {  	_ = 	snop;
	(pc) =	sbr.rel @p0 .LBB2_8-.Ltmp0, $4  }
0x5: {  	s4 =	rddreg [dreg:$0x0]  }
0x6: {  	s3 =	rddreg [dreg:$0x1];
	s2 =	simm.s32 $0x0  }
0x7: {  	[smem:$0x7FF] =	sst s2  }
0x8: {  	s0 =	rddreg [dreg:$0x2];
	_ =	strace $0x80000047;
	s1 =	stileid.u32  }
0x9: {  	s5 =	sshll.u32 s1, $0x8  }
0xa: {  	s25 =	simm.s32 $0x1;
	s4 =	sadd.s32 s4, s5  }
0xb: {  	[tilespmem:s2], [sflag:$0x1] =	stream.linear.gather [hbm4b:s4+s2], $0x800, $0x38;
	[tilespmem:$0x980] =	vst v63  }
0xc: {  	_ =	swait.ge [sflag:s25], $0x800  }
0xd: {  	s26 =	sadd.s32 $0x200, s3;
	s6 =	sshll.u32 s1, $0x2;
	[sflag:s25] =	ssyncset.done $0x0  }
0xe: {  	s7 =	simm.s32 $0x800;
	s5 =	sadd.s32 s26, s6;
	[sflag:s25] =	ssyncadd.s32 $0xFFFFF800  }
0xf: {  	[tilespmem:s7], [sflag:$0x1] =	stream.linear.gather [hbm4b:s5+s2], $0x20, $0x38;
	[tilespmem:$0x980] =	vst v63  }
0x10: {  	_ =	swait.ge [sflag:s25], $0x20  }
0x11: {  	s29 =	simm.s32 $0x880;
	s30 =	sshll.u32 s1, $0x1;
	[sflag:s25] =	ssyncset.done $0x0  }
.Ltmp1:
0x12: {  	s28 =	sadd.s32 s3, s6;
	[sflag:s25] =	ssyncadd.s32 $0xFFFFFFE0;
	(pc) =	sbr.rel .LBB2_2-.Ltmp1, $4  }
0x13: {  	[tilespmem:s29], [sflag:$0x1] =	stream.linear.gather [hbm4b:s28+s2], $0x20, $0x38;
	[tilespmem:$0x980] =	vst v63  }
0x14: {  	s31 =	sadd.s32 s30, s3;
	_ =	swait.ge [sflag:s25], $0x20  }
0x15: {  	s6 =	simm.s32 $0x0;
	s3 =	sadd.s32 $0x400, s31;
	[sflag:s25] =	ssyncset.done $0x0  }
0x16: {  	v0 =	vlaneseq.u32;
	s4 =	simm.f32 $0.0e+00;
	s5 =	simm.s32 $0x0;
	[sflag:s25] =	ssyncadd.s32 $0xFFFFFFE0  }
.LBB2_5:
0x17: {  	v3 =	vadd.f32 v4, v3  }
.LBB2_6:
0x18: {  	_ = 	snop  }
0x19: {  	(xrf2) =	vadd.scan.msk.f32 $0xffff, v3;
	_ =	sdelay $0x9  }
0x1a: {  	v1, _, _ =	vpop (xrf2)  }
0x1b: {  	(v2sf) =	vpush v1, $0xF;
	_ =	sdelay $0xb  }
0x1c: {  	s6 =	sadd.s32 $0x1, s6  }
0x1d: {  	p1 =	sne.s32 s6, $0x20  }
.Ltmp2:
0x1e: {  	_ = 	snop;
	(pc) =	sbr.rel @!p1 .LBB2_7-.Ltmp2, $3  }
0x1f: {  	s9 =	spop (v2sf)  }
0x20: {  	p0 =	sgt.f32 s9, s4;
	_ =	sdelay $0x1  }
0x21: {  	s4 =	smov.u32 @p0 s9;
	s5 =	smov.u32 @p0 s7;
	s2 =	smov.u32 @p0 s8  }
.LBB2_2:
0x22: {  	v1 =	vld [tilespmem:s6+$0x800]  }
0x23: {  	v2 =	vld [tilespmem:s6+$0x880];
	_ =	sdelay $0x3  }
0x24: {  	(v2sf) =	vpush v1, $0x0  }
0x25: {  	(v2sf) =	vpush v2, $0x0;
	_ =	sdelay $0xd  }
0x26: {  	s7 =	spop (v2sf)  }
0x27: {  	s8 =	spop (v2sf)  }
0x28: {  	s9 =	sadd.s32 $0xF, s8  }
0x29: {  	s10 =	sshra.s32 s7, $0x1F;
	s11 =	sshra.s32 s9, $0x1F  }
0x2a: {  	s10 =	sshrl.u32 s10, $0x1C;
	s11 =	sshrl.u32 s11, $0x1C  }
0x2b: {  	s10 =	sadd.s32 s10, s7;
	s9 =	sadd.s32 s11, s9  }
0x2c: {  	s10 =	sshra.s32 s10, $0x4;
	s11 =	sshra.s32 s9, $0x4  }
0x2d: {  	p0 =	sle.s32 s11, s10  }
.Ltmp3:
0x2e: {  	_ = 	snop;
	(pc) =	sbr.rel @p0 .LBB2_6-.Ltmp3, $2  }
0x2f: {  	_ =	sdelay $0x2  }
0x30: {  	v3 =	vimm.f32 $0.0e+00  }
0x31: {  	s9 =	sshll.u32 s10, $0x6  }
0x32: {  	s31 =	ssub.s32 s11, s10;
	s12 =	sshra.s32 s9, $0x2  }
0x33: {  	p0 =	sne.s32 s31, $0x1;
	v4 =	vld [tilespmem:s12+$0x0]  }
.Ltmp4:
0x34: {  	v1 =	vbroadcast v1, $0x0;
	v2 =	vbroadcast v2, $0x0;
	s9 =	sshll.u32 s10, $0x4;
	(pc) =	sbr.rel @!p0 .LBB2_5-.Ltmp4, $4  }
0x35: {  	v3 =	vor.u32 s9, v0  }
0x36: {  	vm0 =	vge.s32 v3, v1;
	vm1 =	vlt.s32 v3, v2  }
0x37: {  	vm0 =	vmand vm0, vm1  }
0x38: {  	s10 =	sadd.s32 $0xFFFFFFFF, s31;
	s11 =	sadd.s32 $0x10, s12;
	v3 =	vimm.f32 $0.0e+00;
	v4 =	vnsel vm0, $0x0, v4  }
.LBB2_4:
0x39: {  	v5 =	vld [tilespmem:s11+$0x0];
	p0 =	sne.s32 s10, $0x1;
	s10 =	sadd.s32 $0xFFFFFFFF, s10;
	v3 =	vadd.f32 v4, v3  }
.Ltmp5:
0x3a: {  	s9 =	sadd.s32 $0x10, s9;
	(pc) =	sbr.rel @p0 .LBB2_4-.Ltmp5, $4  }
0x3b: {  	v4 =	vor.u32 s9, v0  }
0x3c: {  	vm0 =	vge.s32 v4, v1;
	vm1 =	vlt.s32 v4, v2  }
0x3d: {  	vm0 =	vmand vm0, vm1  }
0x3e: {  	s11 =	sadd.s32 $0x10, s11;
	v4 =	vnsel vm0, $0x0, v5  }
.Ltmp6:
0x3f: {  	_ = 	snop;
	(pc) =	sbr.rel .LBB2_5-.Ltmp6, $1  }
0x40: {  	_ =	sdelay $0x3  }
.LBB2_7:
0x41: {  	v0 =	vmov s5;
	vm0 =	vcmask $0x300  }
0x42: {  	vm15 =	vcmask $0x704;
	v0 =	vnsel vm0, $0x0, v0  }
0x43: {  	v0 =	vsel vm15, s2, v0  }
0x44: {  	s30 =	simm.s32 $0x0;
	s4 =	simm.s32 $0x900;
	s31 =	simm.s32 $0x1;
	[tilespmem:$0x900] =	vst v0  }
0x45: {  	[hbm4b:s3+s30] =	stream.linear.scatter [tilespmem:s4], [sflag:$0x1], $0x10, $0x38;
	[tilespmem:$0x980] =	vst v63  }
0x46: {  	_ =	swait.ge [sflag:s31], $0x10  }
0x47: {  	[sflag:s31] =	ssyncset.done $0x0  }
0x48: {  	[sflag:s31] =	ssyncadd.s32 $0xFFFFFFF0  }
.LBB2_8:
0x49: {  	_ =	sfence.sel $0x180000  }
0x4a: {  	[bflag:$0x0] =	sbarrier.arrive $0xFFFF  }
0x4b: {  	p0 =	sne.s32 s1, $0x0;
	_ =	strace $0x90000047  }
0x4c: {  	s0 =	sadd.s32 @!p0 $0x100000, s0;
	[bflag:$0x2] =	sbarrier.arrive $0xFFFF  }
0x4d: {  	[sflag:s0] =	ssyncadd.tile.s32 @!p0 $0x1;
	_ =	shalt  }
.Lfunc_end2:
_tile_overlayer_lowered:
.L_overlay_start_2:
0x4e: {  	(tag) =	ssettag $0x2  }
0x4f: {  	s0 =	rddreg [dreg:$0x0];
	s2 =	stileid.u32  }
0x50: {  	s1 =	rddreg [dreg:$0x1];
	p0 =	sne.s32 s2, $0x0  }
0x51: {  	s3 =	rddreg [dreg:$0x2];
	[bflag:$0x3] =	sbarrier.arrive $0xFFFF;
	s2 =	simm.s32 @!p0 $0x1C02  }
0x52: {  	[timem:s3], [sflag:s2] =	dma.local @!p0 [hbm:s0], s1  }
0x53: {  	s0 =	simm.s32 @!p0 $0x2  }
0x54: {  	_ =	swait.ge @!p0 [sflag:s0], s1  }
0x55: {  	s1 =	ssub.s32 @!p0 $0x0, s1;
	[sflag:s0] =	ssyncset.done @!p0 $0x0  }
0x56: {  	[sflag:s0] =	ssyncadd.s32 @!p0 s1  }
0x57: {  	[bflag:$0x3] =	sbarrier.arrive $0xFFFF  }
0x58: {  	_ =	shalt  }

</sc_bundles>
